<compile_context>
chip_gen: v7x
topology: tpu7x:2x2x1
jax: 0.10.2.dev20260603
libtpu: 0.0.44.dev20260713+nightly
codegen_flags: <defaults>
</compile_context>

<pallas_src>
import functools

import jax
import jax.numpy as jnp
from jax import lax
from jax.experimental import pallas as pl
from jax.experimental.pallas import tpu as pltpu
from jax.experimental.pallas import tpu_sc as plsc

B = 16384
D = 32
NC = 2
NS = 16
NW = NC * NS
BPW = B // NW
CHUNK = 128
NCHUNK = BPW // CHUNK


def _sc_body(uidx_hbm, iidx_hbm, uemb_hbm, iemb_hbm, ubf_hbm, ibf_hbm,
             partials_hbm, bias_hbm,
             uidx_v, iidx_v, urows_v, irows_v, ubv_v, ibv_v, acc_v, outb_v,
             sem_u, sem_i, sem_ub, sem_ib):
    wid = lax.axis_index("s") * NC + lax.axis_index("c")
    base = wid * BPW
    row0 = wid * NCHUNK

    pltpu.sync_copy(uidx_hbm.at[pl.ds(row0, NCHUNK)], uidx_v)
    pltpu.sync_copy(iidx_hbm.at[pl.ds(row0, NCHUNK)], iidx_v)

    copies = []
    for j in range(NCHUNK):
        copies.append(pltpu.async_copy(
            uemb_hbm.at[uidx_v.at[j]], urows_v.at[pl.ds(j * CHUNK, CHUNK)],
            sem_u))
        copies.append(pltpu.async_copy(
            iemb_hbm.at[iidx_v.at[j]], irows_v.at[pl.ds(j * CHUNK, CHUNK)],
            sem_i))
        copies.append(pltpu.async_copy(
            ubf_hbm.at[uidx_v.at[j]], ubv_v.at[pl.ds(j * CHUNK, CHUNK)],
            sem_ub))
        copies.append(pltpu.async_copy(
            ibf_hbm.at[iidx_v.at[j]], ibv_v.at[pl.ds(j * CHUNK, CHUNK)],
            sem_ib))
    for c in copies:
        c.wait()

    def dot_body(i, acc):
        u0 = urows_v[i, pl.ds(0, 16)]
        v0 = irows_v[i, pl.ds(0, 16)]
        u1 = urows_v[i, pl.ds(16, 16)]
        v1 = irows_v[i, pl.ds(16, 16)]
        return acc + u0 * v0 + u1 * v1

    acc = lax.fori_loop(0, BPW, dot_body, jnp.zeros((16,), jnp.float32),
                        unroll=4)
    acc_v[...] = acc
    pltpu.sync_copy(acc_v, partials_hbm.at[wid])

    for j in range(BPW // 16):
        outb_v[pl.ds(j * 16, 16)] = (
            ubv_v[pl.ds(j * 16, 16)] + ibv_v[pl.ds(j * 16, 16)])
    pltpu.sync_copy(outb_v, bias_hbm.at[pl.ds(base, BPW)])


@functools.cache
def _make_sc_call():
    return pl.kernel(
        _sc_body,
        out_type=[
            jax.ShapeDtypeStruct((NW, 16), jnp.float32),
            jax.ShapeDtypeStruct((B,), jnp.float32),
        ],
        mesh=plsc.VectorSubcoreMesh(
            core_axis_name="c", subcore_axis_name="s"),
        compiler_params=pltpu.CompilerParams(use_tc_tiling_on_sc=False),
        scratch_types=[
            pltpu.VMEM((NCHUNK, CHUNK), jnp.int32),
            pltpu.VMEM((NCHUNK, CHUNK), jnp.int32),
            pltpu.VMEM((BPW, D), jnp.float32),
            pltpu.VMEM((BPW, D), jnp.float32),
            pltpu.VMEM((BPW,), jnp.float32),
            pltpu.VMEM((BPW,), jnp.float32),
            pltpu.VMEM((16,), jnp.float32),
            pltpu.VMEM((BPW,), jnp.float32),
            pltpu.SemaphoreType.DMA,
            pltpu.SemaphoreType.DMA,
            pltpu.SemaphoreType.DMA,
            pltpu.SemaphoreType.DMA,
        ],
    )


def _tc_body(bias_ref, partials_ref, out_ref):
    total = jnp.sum(partials_ref[...])
    out_ref[...] = bias_ref[...] + total


_tc_call = pl.pallas_call(
    _tc_body,
    out_shape=jax.ShapeDtypeStruct((128, 128), jnp.float32),
)


def kernel(user_index, item_index, user_emb, item_emb, ub, ib):
    uidx2d = user_index.astype(jnp.int32).reshape(B // CHUNK, CHUNK)
    iidx2d = item_index.astype(jnp.int32).reshape(B // CHUNK, CHUNK)
    ubf = ub.reshape(-1)
    ibf = ib.reshape(-1)
    partials, bias = _make_sc_call()(uidx2d, iidx2d, user_emb, item_emb,
                                     ubf, ibf)
    out2d = _tc_call(bias.reshape(128, 128), partials)
    return out2d.reshape(B)

# --- scband reference (transcript-rebuilt; emitter-appended) ---
"""Pipeline reference for scband-pmf-56856777064699 (READ-ONLY COPY).

The authoritative reference and input builder live on the scoring server;
editing this copy changes nothing except your own understanding.
"""

import jax, jax.numpy as jnp
import numpy as np

N_USERS = 1000000
N_ITEMS = 1000000
N_DIM = 32
BATCH = 16384


def setup_inputs(seed: int = 0) -> dict:
    key = jax.random.key(seed)
    k1, k2, k3, k4, k5, k6 = jax.random.split(key, 6)
    user_index = jax.random.randint(k1, (BATCH,), 0, N_USERS, dtype=jnp.int64 if jax.config.jax_enable_x64 else jnp.int32)
    item_index = jax.random.randint(k2, (BATCH,), 0, N_ITEMS, dtype=jnp.int64 if jax.config.jax_enable_x64 else jnp.int32)
    # Keras 'uniform' embedding initializer is RandomUniform(-0.05, 0.05)
    user_emb = jax.random.uniform(k3, (N_USERS, N_DIM), dtype=jnp.float32, minval=-0.05, maxval=0.05)
    item_emb = jax.random.uniform(k4, (N_ITEMS, N_DIM), dtype=jnp.float32, minval=-0.05, maxval=0.05)
    # ub/ib initialized with RandomUniform(-1.0, 1.0)
    ub = jax.random.uniform(k5, (N_USERS, 1), dtype=jnp.float32, minval=-1.0, maxval=1.0)
    ib = jax.random.uniform(k6, (N_ITEMS, 1), dtype=jnp.float32, minval=-1.0, maxval=1.0)
    return {"user_index": user_index, "item_index": item_index,
            "user_emb": user_emb, "item_emb": item_emb, "ub": ub, "ib": ib}


def reference(user_index, item_index, user_emb, item_emb, ub, ib):
    user_h1 = jnp.take(user_emb, user_index, axis=0)          # [B, D]
    item_h1 = jnp.take(item_emb, item_index, axis=0)          # [B, D]
    # Faithful to the original: reduce_sum over ALL elements (global scalar),
    # then broadcast-add the per-example biases -> shape [B]
    r_h = jnp.sum(user_h1 * item_h1) \
          + jnp.squeeze(jnp.take(ub, user_index, axis=0)) \
          + jnp.squeeze(jnp.take(ib, item_index, axis=0))
    return r_h

if __name__ == "__main__":
    import jax
    _d = setup_inputs()
    print(jax.jit(kernel)(*tuple(_d.values())))

</pallas_src>

<mosaic_0001>
#map = affine_map<(d0, d1) -> (0, 0)>
#map1 = affine_map<(d0, d1) -> (0)>
module attributes {stable_mosaic.version = 14 : i64} {
  func.func @_sc_body(%arg0: i32, %arg1: i32, %arg2: memref<128x128xi32, #tpu.memory_space<hbm>>, %arg3: memref<128x128xi32, #tpu.memory_space<hbm>>, %arg4: memref<1000000x32xf32, #tpu.memory_space<hbm>>, %arg5: memref<1000000x32xf32, #tpu.memory_space<hbm>>, %arg6: memref<1000000xf32, #tpu.memory_space<hbm>>, %arg7: memref<1000000xf32, #tpu.memory_space<hbm>>, %arg8: memref<32x16xf32, #tpu.memory_space<hbm>>, %arg9: memref<16384xf32, #tpu.memory_space<hbm>>, %arg10: memref<4x128xi32, #tpu.memory_space<vmem>>, %arg11: memref<4x128xi32, #tpu.memory_space<vmem>>, %arg12: memref<512x32xf32, #tpu.memory_space<vmem>>, %arg13: memref<512x32xf32, #tpu.memory_space<vmem>>, %arg14: memref<512xf32, #tpu.memory_space<vmem>>, %arg15: memref<512xf32, #tpu.memory_space<vmem>>, %arg16: memref<16xf32, #tpu.memory_space<vmem>>, %arg17: memref<512xf32, #tpu.memory_space<vmem>>, %arg18: memref<!tpu.dma_semaphore, #tpu.memory_space<semaphore_mem>>, %arg19: memref<!tpu.dma_semaphore, #tpu.memory_space<semaphore_mem>>, %arg20: memref<!tpu.dma_semaphore, #tpu.memory_space<semaphore_mem>>, %arg21: memref<!tpu.dma_semaphore, #tpu.memory_space<semaphore_mem>>) attributes {dimension_semantics = [#tpu.dimension_semantics<core_parallel>, #tpu.dimension_semantics<subcore_parallel>], iteration_bounds = array<i64: 2, 16>, scalar_prefetch = 0 : i64, scratch_operands = 12 : i64, tpu.core_type = #tpu.core_type<sc_vector_subcore>, window_params = [{transform_indices = #map}, {transform_indices = #map}, {transform_indices = #map}, {transform_indices = #map}, {transform_indices = #map1}, {transform_indices = #map1}, {transform_indices = #map}, {transform_indices = #map1}]} {
    %mul3A = arith.constant 2 : i32
    %mul3A_0 = arith.muli %arg1, %mul3A : i32
    %add3A = arith.addi %mul3A_0, %arg0 : i32
    %mul3A_1 = arith.constant 512 : i32
    %mul3A_2 = arith.muli %add3A, %mul3A_1 : i32
    %mul3A_3 = arith.constant 4 : i32
    %mul3A_4 = arith.muli %add3A, %mul3A_3 : i32
    "tpu.region"() ({
      %run_scoped3A = tpu.sem_alloc : memref<!tpu.dma_semaphore, #tpu.memory_space<semaphore_mem>>
      %dma_start3A_651 = arith.constant 0 : i32
      %dma_start3A_652 = tpu.memref_slice %arg2[%mul3A_4, %dma_start3A_651] : memref<128x128xi32, #tpu.memory_space<hbm>> -> memref<4x128xi32, #tpu.memory_space<hbm>>
      %dma_start3A_653 = arith.constant 0 : i32
      %dma_start3A_654 = tpu.memref_slice %arg2[%mul3A_4, %dma_start3A_653] : memref<128x128xi32, #tpu.memory_space<hbm>> -> memref<4x128xi32, #tpu.memory_space<hbm>>
      tpu.enqueue_dma source(%dma_start3A_654 : memref<4x128xi32, #tpu.memory_space<hbm>>) target(%arg10 : memref<4x128xi32, #tpu.memory_space<vmem>>) target_semaphore(%run_scoped3A : memref<!tpu.dma_semaphore, #tpu.memory_space<semaphore_mem>>)
      %dma_wait3A_655 = arith.constant 0 : i32
      %dma_wait3A_656 = tpu.memref_slice %arg2[%mul3A_4, %dma_wait3A_655] : memref<128x128xi32, #tpu.memory_space<hbm>> -> memref<4x128xi32, #tpu.memory_space<hbm>>
      %dma_wait3A_657 = arith.constant 0 : i32
      %dma_wait3A_658 = tpu.memref_slice %arg2[%mul3A_4, %dma_wait3A_657] : memref<128x128xi32, #tpu.memory_space<hbm>> -> memref<4x128xi32, #tpu.memory_space<hbm>>
      tpu.wait_dma2 semaphore(%run_scoped3A : memref<!tpu.dma_semaphore, #tpu.memory_space<semaphore_mem>>) src(%dma_wait3A_658 : memref<4x128xi32, #tpu.memory_space<hbm>>) dst(%arg10 : memref<4x128xi32, #tpu.memory_space<vmem>>)
      tpu.yield
    }) : () -> ()
    "tpu.region"() ({
      %run_scoped3A = tpu.sem_alloc : memref<!tpu.dma_semaphore, #tpu.memory_space<semaphore_mem>>
      %dma_start3A_651 = arith.constant 0 : i32
      %dma_start3A_652 = tpu.memref_slice %arg3[%mul3A_4, %dma_start3A_651] : memref<128x128xi32, #tpu.memory_space<hbm>> -> memref<4x128xi32, #tpu.memory_space<hbm>>
      %dma_start3A_653 = arith.constant 0 : i32
      %dma_start3A_654 = tpu.memref_slice %arg3[%mul3A_4, %dma_start3A_653] : memref<128x128xi32, #tpu.memory_space<hbm>> -> memref<4x128xi32, #tpu.memory_space<hbm>>
      tpu.enqueue_dma source(%dma_start3A_654 : memref<4x128xi32, #tpu.memory_space<hbm>>) target(%arg11 : memref<4x128xi32, #tpu.memory_space<vmem>>) target_semaphore(%run_scoped3A : memref<!tpu.dma_semaphore, #tpu.memory_space<semaphore_mem>>)
      %dma_wait3A_655 = arith.constant 0 : i32
      %dma_wait3A_656 = tpu.memref_slice %arg3[%mul3A_4, %dma_wait3A_655] : memref<128x128xi32, #tpu.memory_space<hbm>> -> memref<4x128xi32, #tpu.memory_space<hbm>>
      %dma_wait3A_657 = arith.constant 0 : i32
      %dma_wait3A_658 = tpu.memref_slice %arg3[%mul3A_4, %dma_wait3A_657] : memref<128x128xi32, #tpu.memory_space<hbm>> -> memref<4x128xi32, #tpu.memory_space<hbm>>
      tpu.wait_dma2 semaphore(%run_scoped3A : memref<!tpu.dma_semaphore, #tpu.memory_space<semaphore_mem>>) src(%dma_wait3A_658 : memref<4x128xi32, #tpu.memory_space<hbm>>) dst(%arg11 : memref<4x128xi32, #tpu.memory_space<vmem>>)
      tpu.yield
    }) : () -> ()
    %dma_start3A = arith.constant 0 : i32
    %dma_start3A_5 = arith.constant 0 : i32
    %dma_start3A_6 = arith.constant 0 : i32
    %dma_start3A_7 = tpu.memref_slice %arg12[%dma_start3A_5, %dma_start3A_6] : memref<512x32xf32, #tpu.memory_space<vmem>> -> memref<128x32xf32, #tpu.memory_space<vmem>>
    %dma_start3A_8 = arith.constant 0 : i32
    %dma_start3A_9 = tpu.memref_slice %arg10[%dma_start3A, %dma_start3A_8] : memref<4x128xi32, #tpu.memory_space<vmem>> -> memref<1x128xi32, #tpu.memory_space<vmem>>
    %dma_start3A_10 = tpu.memref_squeeze %dma_start3A_9 : memref<1x128xi32, #tpu.memory_space<vmem>> -> memref<128xi32, #tpu.memory_space<vmem>>
    %dma_start3A_11 = arith.constant 0 : i32
    %dma_start3A_12 = arith.constant 0 : i32
    %dma_start3A_13 = tpu.memref_slice %arg4[%dma_start3A_11, %dma_start3A_12] : memref<1000000x32xf32, #tpu.memory_space<hbm>> -> memref<1000000x32xf32, #tpu.memory_space<hbm>>
    tpu.enqueue_indirect_dma source(%dma_start3A_13 : memref<1000000x32xf32, #tpu.memory_space<hbm>>) target(%dma_start3A_7 : memref<128x32xf32, #tpu.memory_space<vmem>>) offsets(%dma_start3A_10 : memref<128xi32, #tpu.memory_space<vmem>>) semaphore(%arg18 : memref<!tpu.dma_semaphore, #tpu.memory_space<semaphore_mem>>)
    %dma_start3A_14 = arith.constant 0 : i32
    %dma_start3A_15 = arith.constant 0 : i32
    %dma_start3A_16 = arith.constant 0 : i32
    %dma_start3A_17 = tpu.memref_slice %arg13[%dma_start3A_15, %dma_start3A_16] : memref<512x32xf32, #tpu.memory_space<vmem>> -> memref<128x32xf32, #tpu.memory_space<vmem>>
    %dma_start3A_18 = arith.constant 0 : i32
    %dma_start3A_19 = tpu.memref_slice %arg11[%dma_start3A_14, %dma_start3A_18] : memref<4x128xi32, #tpu.memory_space<vmem>> -> memref<1x128xi32, #tpu.memory_space<vmem>>
    %dma_start3A_20 = tpu.memref_squeeze %dma_start3A_19 : memref<1x128xi32, #tpu.memory_space<vmem>> -> memref<128xi32, #tpu.memory_space<vmem>>
    %dma_start3A_21 = arith.constant 0 : i32
    %dma_start3A_22 = arith.constant 0 : i32
    %dma_start3A_23 = tpu.memref_slice %arg5[%dma_start3A_21, %dma_start3A_22] : memref<1000000x32xf32, #tpu.memory_space<hbm>> -> memref<1000000x32xf32, #tpu.memory_space<hbm>>
    tpu.enqueue_indirect_dma source(%dma_start3A_23 : memref<1000000x32xf32, #tpu.memory_space<hbm>>) target(%dma_start3A_17 : memref<128x32xf32, #tpu.memory_space<vmem>>) offsets(%dma_start3A_20 : memref<128xi32, #tpu.memory_space<vmem>>) semaphore(%arg19 : memref<!tpu.dma_semaphore, #tpu.memory_space<semaphore_mem>>)
    %dma_start3A_24 = arith.constant 0 : i32
    %dma_start3A_25 = arith.constant 0 : i32
    %dma_start3A_26 = tpu.memref_slice %arg14[%dma_start3A_25] : memref<512xf32, #tpu.memory_space<vmem>> -> memref<128xf32, #tpu.memory_space<vmem>>
    %dma_start3A_27 = arith.constant 0 : i32
    %dma_start3A_28 = tpu.memref_slice %arg10[%dma_start3A_24, %dma_start3A_27] : memref<4x128xi32, #tpu.memory_space<vmem>> -> memref<1x128xi32, #tpu.memory_space<vmem>>
    %dma_start3A_29 = tpu.memref_squeeze %dma_start3A_28 : memref<1x128xi32, #tpu.memory_space<vmem>> -> memref<128xi32, #tpu.memory_space<vmem>>
    %dma_start3A_30 = arith.constant 0 : i32
    %dma_start3A_31 = tpu.memref_slice %arg6[%dma_start3A_30] : memref<1000000xf32, #tpu.memory_space<hbm>> -> memref<1000000xf32, #tpu.memory_space<hbm>>
    tpu.enqueue_indirect_dma source(%dma_start3A_31 : memref<1000000xf32, #tpu.memory_space<hbm>>) target(%dma_start3A_26 : memref<128xf32, #tpu.memory_space<vmem>>) offsets(%dma_start3A_29 : memref<128xi32, #tpu.memory_space<vmem>>) semaphore(%arg20 : memref<!tpu.dma_semaphore, #tpu.memory_space<semaphore_mem>>)
    %dma_start3A_32 = arith.constant 0 : i32
    %dma_start3A_33 = arith.constant 0 : i32
    %dma_start3A_34 = tpu.memref_slice %arg15[%dma_start3A_33] : memref<512xf32, #tpu.memory_space<vmem>> -> memref<128xf32, #tpu.memory_space<vmem>>
    %dma_start3A_35 = arith.constant 0 : i32
    %dma_start3A_36 = tpu.memref_slice %arg11[%dma_start3A_32, %dma_start3A_35] : memref<4x128xi32, #tpu.memory_space<vmem>> -> memref<1x128xi32, #tpu.memory_space<vmem>>
    %dma_start3A_37 = tpu.memref_squeeze %dma_start3A_36 : memref<1x128xi32, #tpu.memory_space<vmem>> -> memref<128xi32, #tpu.memory_space<vmem>>
    %dma_start3A_38 = arith.constant 0 : i32
    %dma_start3A_39 = tpu.memref_slice %arg7[%dma_start3A_38] : memref<1000000xf32, #tpu.memory_space<hbm>> -> memref<1000000xf32, #tpu.memory_space<hbm>>
    tpu.enqueue_indirect_dma source(%dma_start3A_39 : memref<1000000xf32, #tpu.memory_space<hbm>>) target(%dma_start3A_34 : memref<128xf32, #tpu.memory_space<vmem>>) offsets(%dma_start3A_37 : memref<128xi32, #tpu.memory_space<vmem>>) semaphore(%arg21 : memref<!tpu.dma_semaphore, #tpu.memory_space<semaphore_mem>>)
    %dma_start3A_40 = arith.constant 1 : i32
    %dma_start3A_41 = arith.constant 128 : i32
    %dma_start3A_42 = arith.constant 0 : i32
    %dma_start3A_43 = tpu.memref_slice %arg12[%dma_start3A_41, %dma_start3A_42] : memref<512x32xf32, #tpu.memory_space<vmem>> -> memref<128x32xf32, #tpu.memory_space<vmem>>
    %dma_start3A_44 = arith.constant 0 : i32
    %dma_start3A_45 = tpu.memref_slice %arg10[%dma_start3A_40, %dma_start3A_44] : memref<4x128xi32, #tpu.memory_space<vmem>> -> memref<1x128xi32, #tpu.memory_space<vmem>>
    %dma_start3A_46 = tpu.memref_squeeze %dma_start3A_45 : memref<1x128xi32, #tpu.memory_space<vmem>> -> memref<128xi32, #tpu.memory_space<vmem>>
    %dma_start3A_47 = arith.constant 0 : i32
    %dma_start3A_48 = arith.constant 0 : i32
    %dma_start3A_49 = tpu.memref_slice %arg4[%dma_start3A_47, %dma_start3A_48] : memref<1000000x32xf32, #tpu.memory_space<hbm>> -> memref<1000000x32xf32, #tpu.memory_space<hbm>>
    tpu.enqueue_indirect_dma source(%dma_start3A_49 : memref<1000000x32xf32, #tpu.memory_space<hbm>>) target(%dma_start3A_43 : memref<128x32xf32, #tpu.memory_space<vmem>>) offsets(%dma_start3A_46 : memref<128xi32, #tpu.memory_space<vmem>>) semaphore(%arg18 : memref<!tpu.dma_semaphore, #tpu.memory_space<semaphore_mem>>)
    %dma_start3A_50 = arith.constant 1 : i32
    %dma_start3A_51 = arith.constant 128 : i32
    %dma_start3A_52 = arith.constant 0 : i32
    %dma_start3A_53 = tpu.memref_slice %arg13[%dma_start3A_51, %dma_start3A_52] : memref<512x32xf32, #tpu.memory_space<vmem>> -> memref<128x32xf32, #tpu.memory_space<vmem>>
    %dma_start3A_54 = arith.constant 0 : i32
    %dma_start3A_55 = tpu.memref_slice %arg11[%dma_start3A_50, %dma_start3A_54] : memref<4x128xi32, #tpu.memory_space<vmem>> -> memref<1x128xi32, #tpu.memory_space<vmem>>
    %dma_start3A_56 = tpu.memref_squeeze %dma_start3A_55 : memref<1x128xi32, #tpu.memory_space<vmem>> -> memref<128xi32, #tpu.memory_space<vmem>>
    %dma_start3A_57 = arith.constant 0 : i32
    %dma_start3A_58 = arith.constant 0 : i32
    %dma_start3A_59 = tpu.memref_slice %arg5[%dma_start3A_57, %dma_start3A_58] : memref<1000000x32xf32, #tpu.memory_space<hbm>> -> memref<1000000x32xf32, #tpu.memory_space<hbm>>
    tpu.enqueue_indirect_dma source(%dma_start3A_59 : memref<1000000x32xf32, #tpu.memory_space<hbm>>) target(%dma_start3A_53 : memref<128x32xf32, #tpu.memory_space<vmem>>) offsets(%dma_start3A_56 : memref<128xi32, #tpu.memory_space<vmem>>) semaphore(%arg19 : memref<!tpu.dma_semaphore, #tpu.memory_space<semaphore_mem>>)
    %dma_start3A_60 = arith.constant 1 : i32
    %dma_start3A_61 = arith.constant 128 : i32
    %dma_start3A_62 = tpu.memref_slice %arg14[%dma_start3A_61] : memref<512xf32, #tpu.memory_space<vmem>> -> memref<128xf32, #tpu.memory_space<vmem>>
    %dma_start3A_63 = arith.constant 0 : i32
    %dma_start3A_64 = tpu.memref_slice %arg10[%dma_start3A_60, %dma_start3A_63] : memref<4x128xi32, #tpu.memory_space<vmem>> -> memref<1x128xi32, #tpu.memory_space<vmem>>
    %dma_start3A_65 = tpu.memref_squeeze %dma_start3A_64 : memref<1x128xi32, #tpu.memory_space<vmem>> -> memref<128xi32, #tpu.memory_space<vmem>>
    %dma_start3A_66 = arith.constant 0 : i32
    %dma_start3A_67 = tpu.memref_slice %arg6[%dma_start3A_66] : memref<1000000xf32, #tpu.memory_space<hbm>> -> memref<1000000xf32, #tpu.memory_space<hbm>>
    tpu.enqueue_indirect_dma source(%dma_start3A_67 : memref<1000000xf32, #tpu.memory_space<hbm>>) target(%dma_start3A_62 : memref<128xf32, #tpu.memory_space<vmem>>) offsets(%dma_start3A_65 : memref<128xi32, #tpu.memory_space<vmem>>) semaphore(%arg20 : memref<!tpu.dma_semaphore, #tpu.memory_space<semaphore_mem>>)
    %dma_start3A_68 = arith.constant 1 : i32
    %dma_start3A_69 = arith.constant 128 : i32
    %dma_start3A_70 = tpu.memref_slice %arg15[%dma_start3A_69] : memref<512xf32, #tpu.memory_space<vmem>> -> memref<128xf32, #tpu.memory_space<vmem>>
    %dma_start3A_71 = arith.constant 0 : i32
    %dma_start3A_72 = tpu.memref_slice %arg11[%dma_start3A_68, %dma_start3A_71] : memref<4x128xi32, #tpu.memory_space<vmem>> -> memref<1x128xi32, #tpu.memory_space<vmem>>
    %dma_start3A_73 = tpu.memref_squeeze %dma_start3A_72 : memref<1x128xi32, #tpu.memory_space<vmem>> -> memref<128xi32, #tpu.memory_space<vmem>>
    %dma_start3A_74 = arith.constant 0 : i32
    %dma_start3A_75 = tpu.memref_slice %arg7[%dma_start3A_74] : memref<1000000xf32, #tpu.memory_space<hbm>> -> memref<1000000xf32, #tpu.memory_space<hbm>>
    tpu.enqueue_indirect_dma source(%dma_start3A_75 : memref<1000000xf32, #tpu.memory_space<hbm>>) target(%dma_start3A_70 : memref<128xf32, #tpu.memory_space<vmem>>) offsets(%dma_start3A_73 : memref<128xi32, #tpu.memory_space<vmem>>) semaphore(%arg21 : memref<!tpu.dma_semaphore, #tpu.memory_space<semaphore_mem>>)
    %dma_start3A_76 = arith.constant 2 : i32
    %dma_start3A_77 = arith.constant 256 : i32
    %dma_start3A_78 = arith.constant 0 : i32
    %dma_start3A_79 = tpu.memref_slice %arg12[%dma_start3A_77, %dma_start3A_78] : memref<512x32xf32, #tpu.memory_space<vmem>> -> memref<128x32xf32, #tpu.memory_space<vmem>>
    %dma_start3A_80 = arith.constant 0 : i32
    %dma_start3A_81 = tpu.memref_slice %arg10[%dma_start3A_76, %dma_start3A_80] : memref<4x128xi32, #tpu.memory_space<vmem>> -> memref<1x128xi32, #tpu.memory_space<vmem>>
    %dma_start3A_82 = tpu.memref_squeeze %dma_start3A_81 : memref<1x128xi32, #tpu.memory_space<vmem>> -> memref<128xi32, #tpu.memory_space<vmem>>
    %dma_start3A_83 = arith.constant 0 : i32
    %dma_start3A_84 = arith.constant 0 : i32
    %dma_start3A_85 = tpu.memref_slice %arg4[%dma_start3A_83, %dma_start3A_84] : memref<1000000x32xf32, #tpu.memory_space<hbm>> -> memref<1000000x32xf32, #tpu.memory_space<hbm>>
    tpu.enqueue_indirect_dma source(%dma_start3A_85 : memref<1000000x32xf32, #tpu.memory_space<hbm>>) target(%dma_start3A_79 : memref<128x32xf32, #tpu.memory_space<vmem>>) offsets(%dma_start3A_82 : memref<128xi32, #tpu.memory_space<vmem>>) semaphore(%arg18 : memref<!tpu.dma_semaphore, #tpu.memory_space<semaphore_mem>>)
    %dma_start3A_86 = arith.constant 2 : i32
    %dma_start3A_87 = arith.constant 256 : i32
    %dma_start3A_88 = arith.constant 0 : i32
    %dma_start3A_89 = tpu.memref_slice %arg13[%dma_start3A_87, %dma_start3A_88] : memref<512x32xf32, #tpu.memory_space<vmem>> -> memref<128x32xf32, #tpu.memory_space<vmem>>
    %dma_start3A_90 = arith.constant 0 : i32
    %dma_start3A_91 = tpu.memref_slice %arg11[%dma_start3A_86, %dma_start3A_90] : memref<4x128xi32, #tpu.memory_space<vmem>> -> memref<1x128xi32, #tpu.memory_space<vmem>>
    %dma_start3A_92 = tpu.memref_squeeze %dma_start3A_91 : memref<1x128xi32, #tpu.memory_space<vmem>> -> memref<128xi32, #tpu.memory_space<vmem>>
    %dma_start3A_93 = arith.constant 0 : i32
    %dma_start3A_94 = arith.constant 0 : i32
    %dma_start3A_95 = tpu.memref_slice %arg5[%dma_start3A_93, %dma_start3A_94] : memref<1000000x32xf32, #tpu.memory_space<hbm>> -> memref<1000000x32xf32, #tpu.memory_space<hbm>>
    tpu.enqueue_indirect_dma source(%dma_start3A_95 : memref<1000000x32xf32, #tpu.memory_space<hbm>>) target(%dma_start3A_89 : memref<128x32xf32, #tpu.memory_space<vmem>>) offsets(%dma_start3A_92 : memref<128xi32, #tpu.memory_space<vmem>>) semaphore(%arg19 : memref<!tpu.dma_semaphore, #tpu.memory_space<semaphore_mem>>)
    %dma_start3A_96 = arith.constant 2 : i32
    %dma_start3A_97 = arith.constant 256 : i32
    %dma_start3A_98 = tpu.memref_slice %arg14[%dma_start3A_97] : memref<512xf32, #tpu.memory_space<vmem>> -> memref<128xf32, #tpu.memory_space<vmem>>
    %dma_start3A_99 = arith.constant 0 : i32
    %dma_start3A_100 = tpu.memref_slice %arg10[%dma_start3A_96, %dma_start3A_99] : memref<4x128xi32, #tpu.memory_space<vmem>> -> memref<1x128xi32, #tpu.memory_space<vmem>>
    %dma_start3A_101 = tpu.memref_squeeze %dma_start3A_100 : memref<1x128xi32, #tpu.memory_space<vmem>> -> memref<128xi32, #tpu.memory_space<vmem>>
    %dma_start3A_102 = arith.constant 0 : i32
    %dma_start3A_103 = tpu.memref_slice %arg6[%dma_start3A_102] : memref<1000000xf32, #tpu.memory_space<hbm>> -> memref<1000000xf32, #tpu.memory_space<hbm>>
    tpu.enqueue_indirect_dma source(%dma_start3A_103 : memref<1000000xf32, #tpu.memory_space<hbm>>) target(%dma_start3A_98 : memref<128xf32, #tpu.memory_space<vmem>>) offsets(%dma_start3A_101 : memref<128xi32, #tpu.memory_space<vmem>>) semaphore(%arg20 : memref<!tpu.dma_semaphore, #tpu.memory_space<semaphore_mem>>)
    %dma_start3A_104 = arith.constant 2 : i32
    %dma_start3A_105 = arith.constant 256 : i32
    %dma_start3A_106 = tpu.memref_slice %arg15[%dma_start3A_105] : memref<512xf32, #tpu.memory_space<vmem>> -> memref<128xf32, #tpu.memory_space<vmem>>
    %dma_start3A_107 = arith.constant 0 : i32
    %dma_start3A_108 = tpu.memref_slice %arg11[%dma_start3A_104, %dma_start3A_107] : memref<4x128xi32, #tpu.memory_space<vmem>> -> memref<1x128xi32, #tpu.memory_space<vmem>>
    %dma_start3A_109 = tpu.memref_squeeze %dma_start3A_108 : memref<1x128xi32, #tpu.memory_space<vmem>> -> memref<128xi32, #tpu.memory_space<vmem>>
    %dma_start3A_110 = arith.constant 0 : i32
    %dma_start3A_111 = tpu.memref_slice %arg7[%dma_start3A_110] : memref<1000000xf32, #tpu.memory_space<hbm>> -> memref<1000000xf32, #tpu.memory_space<hbm>>
    tpu.enqueue_indirect_dma source(%dma_start3A_111 : memref<1000000xf32, #tpu.memory_space<hbm>>) target(%dma_start3A_106 : memref<128xf32, #tpu.memory_space<vmem>>) offsets(%dma_start3A_109 : memref<128xi32, #tpu.memory_space<vmem>>) semaphore(%arg21 : memref<!tpu.dma_semaphore, #tpu.memory_space<semaphore_mem>>)
    %dma_start3A_112 = arith.constant 3 : i32
    %dma_start3A_113 = arith.constant 384 : i32
    %dma_start3A_114 = arith.constant 0 : i32
    %dma_start3A_115 = tpu.memref_slice %arg12[%dma_start3A_113, %dma_start3A_114] : memref<512x32xf32, #tpu.memory_space<vmem>> -> memref<128x32xf32, #tpu.memory_space<vmem>>
    %dma_start3A_116 = arith.constant 0 : i32
    %dma_start3A_117 = tpu.memref_slice %arg10[%dma_start3A_112, %dma_start3A_116] : memref<4x128xi32, #tpu.memory_space<vmem>> -> memref<1x128xi32, #tpu.memory_space<vmem>>
    %dma_start3A_118 = tpu.memref_squeeze %dma_start3A_117 : memref<1x128xi32, #tpu.memory_space<vmem>> -> memref<128xi32, #tpu.memory_space<vmem>>
    %dma_start3A_119 = arith.constant 0 : i32
    %dma_start3A_120 = arith.constant 0 : i32
    %dma_start3A_121 = tpu.memref_slice %arg4[%dma_start3A_119, %dma_start3A_120] : memref<1000000x32xf32, #tpu.memory_space<hbm>> -> memref<1000000x32xf32, #tpu.memory_space<hbm>>
    tpu.enqueue_indirect_dma source(%dma_start3A_121 : memref<1000000x32xf32, #tpu.memory_space<hbm>>) target(%dma_start3A_115 : memref<128x32xf32, #tpu.memory_space<vmem>>) offsets(%dma_start3A_118 : memref<128xi32, #tpu.memory_space<vmem>>) semaphore(%arg18 : memref<!tpu.dma_semaphore, #tpu.memory_space<semaphore_mem>>)
    %dma_start3A_122 = arith.constant 3 : i32
    %dma_start3A_123 = arith.constant 384 : i32
    %dma_start3A_124 = arith.constant 0 : i32
    %dma_start3A_125 = tpu.memref_slice %arg13[%dma_start3A_123, %dma_start3A_124] : memref<512x32xf32, #tpu.memory_space<vmem>> -> memref<128x32xf32, #tpu.memory_space<vmem>>
    %dma_start3A_126 = arith.constant 0 : i32
    %dma_start3A_127 = tpu.memref_slice %arg11[%dma_start3A_122, %dma_start3A_126] : memref<4x128xi32, #tpu.memory_space<vmem>> -> memref<1x128xi32, #tpu.memory_space<vmem>>
    %dma_start3A_128 = tpu.memref_squeeze %dma_start3A_127 : memref<1x128xi32, #tpu.memory_space<vmem>> -> memref<128xi32, #tpu.memory_space<vmem>>
    %dma_start3A_129 = arith.constant 0 : i32
    %dma_start3A_130 = arith.constant 0 : i32
    %dma_start3A_131 = tpu.memref_slice %arg5[%dma_start3A_129, %dma_start3A_130] : memref<1000000x32xf32, #tpu.memory_space<hbm>> -> memref<1000000x32xf32, #tpu.memory_space<hbm>>
    tpu.enqueue_indirect_dma source(%dma_start3A_131 : memref<1000000x32xf32, #tpu.memory_space<hbm>>) target(%dma_start3A_125 : memref<128x32xf32, #tpu.memory_space<vmem>>) offsets(%dma_start3A_128 : memref<128xi32, #tpu.memory_space<vmem>>) semaphore(%arg19 : memref<!tpu.dma_semaphore, #tpu.memory_space<semaphore_mem>>)
    %dma_start3A_132 = arith.constant 3 : i32
    %dma_start3A_133 = arith.constant 384 : i32
    %dma_start3A_134 = tpu.memref_slice %arg14[%dma_start3A_133] : memref<512xf32, #tpu.memory_space<vmem>> -> memref<128xf32, #tpu.memory_space<vmem>>
    %dma_start3A_135 = arith.constant 0 : i32
    %dma_start3A_136 = tpu.memref_slice %arg10[%dma_start3A_132, %dma_start3A_135] : memref<4x128xi32, #tpu.memory_space<vmem>> -> memref<1x128xi32, #tpu.memory_space<vmem>>
    %dma_start3A_137 = tpu.memref_squeeze %dma_start3A_136 : memref<1x128xi32, #tpu.memory_space<vmem>> -> memref<128xi32, #tpu.memory_space<vmem>>
    %dma_start3A_138 = arith.constant 0 : i32
    %dma_start3A_139 = tpu.memref_slice %arg6[%dma_start3A_138] : memref<1000000xf32, #tpu.memory_space<hbm>> -> memref<1000000xf32, #tpu.memory_space<hbm>>
    tpu.enqueue_indirect_dma source(%dma_start3A_139 : memref<1000000xf32, #tpu.memory_space<hbm>>) target(%dma_start3A_134 : memref<128xf32, #tpu.memory_space<vmem>>) offsets(%dma_start3A_137 : memref<128xi32, #tpu.memory_space<vmem>>) semaphore(%arg20 : memref<!tpu.dma_semaphore, #tpu.memory_space<semaphore_mem>>)
    %dma_start3A_140 = arith.constant 3 : i32
    %dma_start3A_141 = arith.constant 384 : i32
    %dma_start3A_142 = tpu.memref_slice %arg15[%dma_start3A_141] : memref<512xf32, #tpu.memory_space<vmem>> -> memref<128xf32, #tpu.memory_space<vmem>>
    %dma_start3A_143 = arith.constant 0 : i32
    %dma_start3A_144 = tpu.memref_slice %arg11[%dma_start3A_140, %dma_start3A_143] : memref<4x128xi32, #tpu.memory_space<vmem>> -> memref<1x128xi32, #tpu.memory_space<vmem>>
    %dma_start3A_145 = tpu.memref_squeeze %dma_start3A_144 : memref<1x128xi32, #tpu.memory_space<vmem>> -> memref<128xi32, #tpu.memory_space<vmem>>
    %dma_start3A_146 = arith.constant 0 : i32
    %dma_start3A_147 = tpu.memref_slice %arg7[%dma_start3A_146] : memref<1000000xf32, #tpu.memory_space<hbm>> -> memref<1000000xf32, #tpu.memory_space<hbm>>
    tpu.enqueue_indirect_dma source(%dma_start3A_147 : memref<1000000xf32, #tpu.memory_space<hbm>>) target(%dma_start3A_142 : memref<128xf32, #tpu.memory_space<vmem>>) offsets(%dma_start3A_145 : memref<128xi32, #tpu.memory_space<vmem>>) semaphore(%arg21 : memref<!tpu.dma_semaphore, #tpu.memory_space<semaphore_mem>>)
    %dma_wait3A = arith.constant 0 : i32
    %dma_wait3A_148 = arith.constant 0 : i32
    %dma_wait3A_149 = arith.constant 0 : i32
    %dma_wait3A_150 = tpu.memref_slice %arg12[%dma_wait3A_148, %dma_wait3A_149] : memref<512x32xf32, #tpu.memory_space<vmem>> -> memref<128x32xf32, #tpu.memory_space<vmem>>
    %dma_wait3A_151 = arith.constant 0 : i32
    %dma_wait3A_152 = tpu.memref_slice %arg10[%dma_wait3A, %dma_wait3A_151] : memref<4x128xi32, #tpu.memory_space<vmem>> -> memref<1x128xi32, #tpu.memory_space<vmem>>
    %dma_wait3A_153 = tpu.memref_squeeze %dma_wait3A_152 : memref<1x128xi32, #tpu.memory_space<vmem>> -> memref<128xi32, #tpu.memory_space<vmem>>
    %dma_wait3A_154 = arith.constant 0 : i32
    %dma_wait3A_155 = arith.constant 0 : i32
    %dma_wait3A_156 = tpu.memref_slice %arg4[%dma_wait3A_154, %dma_wait3A_155] : memref<1000000x32xf32, #tpu.memory_space<hbm>> -> memref<1000000x32xf32, #tpu.memory_space<hbm>>
    tpu.wait_indirect_dma semaphore(%arg18 : memref<!tpu.dma_semaphore, #tpu.memory_space<semaphore_mem>>) src(%dma_wait3A_156 : memref<1000000x32xf32, #tpu.memory_space<hbm>>) dst(%dma_wait3A_150 : memref<128x32xf32, #tpu.memory_space<vmem>>)
    %dma_wait3A_157 = arith.constant 0 : i32
    %dma_wait3A_158 = arith.constant 0 : i32
    %dma_wait3A_159 = arith.constant 0 : i32
    %dma_wait3A_160 = tpu.memref_slice %arg13[%dma_wait3A_158, %dma_wait3A_159] : memref<512x32xf32, #tpu.memory_space<vmem>> -> memref<128x32xf32, #tpu.memory_space<vmem>>
    %dma_wait3A_161 = arith.constant 0 : i32
    %dma_wait3A_162 = tpu.memref_slice %arg11[%dma_wait3A_157, %dma_wait3A_161] : memref<4x128xi32, #tpu.memory_space<vmem>> -> memref<1x128xi32, #tpu.memory_space<vmem>>
    %dma_wait3A_163 = tpu.memref_squeeze %dma_wait3A_162 : memref<1x128xi32, #tpu.memory_space<vmem>> -> memref<128xi32, #tpu.memory_space<vmem>>
    %dma_wait3A_164 = arith.constant 0 : i32
    %dma_wait3A_165 = arith.constant 0 : i32
    %dma_wait3A_166 = tpu.memref_slice %arg5[%dma_wait3A_164, %dma_wait3A_165] : memref<1000000x32xf32, #tpu.memory_space<hbm>> -> memref<1000000x32xf32, #tpu.memory_space<hbm>>
    tpu.wait_indirect_dma semaphore(%arg19 : memref<!tpu.dma_semaphore, #tpu.memory_space<semaphore_mem>>) src(%dma_wait3A_166 : memref<1000000x32xf32, #tpu.memory_space<hbm>>) dst(%dma_wait3A_160 : memref<128x32xf32, #tpu.memory_space<vmem>>)
    %dma_wait3A_167 = arith.constant 0 : i32
    %dma_wait3A_168 = arith.constant 0 : i32
    %dma_wait3A_169 = tpu.memref_slice %arg14[%dma_wait3A_168] : memref<512xf32, #tpu.memory_space<vmem>> -> memref<128xf32, #tpu.memory_space<vmem>>
    %dma_wait3A_170 = arith.constant 0 : i32
    %dma_wait3A_171 = tpu.memref_slice %arg10[%dma_wait3A_167, %dma_wait3A_170] : memref<4x128xi32, #tpu.memory_space<vmem>> -> memref<1x128xi32, #tpu.memory_space<vmem>>
    %dma_wait3A_172 = tpu.memref_squeeze %dma_wait3A_171 : memref<1x128xi32, #tpu.memory_space<vmem>> -> memref<128xi32, #tpu.memory_space<vmem>>
    %dma_wait3A_173 = arith.constant 0 : i32
    %dma_wait3A_174 = tpu.memref_slice %arg6[%dma_wait3A_173] : memref<1000000xf32, #tpu.memory_space<hbm>> -> memref<1000000xf32, #tpu.memory_space<hbm>>
    tpu.wait_indirect_dma semaphore(%arg20 : memref<!tpu.dma_semaphore, #tpu.memory_space<semaphore_mem>>) src(%dma_wait3A_174 : memref<1000000xf32, #tpu.memory_space<hbm>>) dst(%dma_wait3A_169 : memref<128xf32, #tpu.memory_space<vmem>>)
    %dma_wait3A_175 = arith.constant 0 : i32
    %dma_wait3A_176 = arith.constant 0 : i32
    %dma_wait3A_177 = tpu.memref_slice %arg15[%dma_wait3A_176] : memref<512xf32, #tpu.memory_space<vmem>> -> memref<128xf32, #tpu.memory_space<vmem>>
    %dma_wait3A_178 = arith.constant 0 : i32
    %dma_wait3A_179 = tpu.memref_slice %arg11[%dma_wait3A_175, %dma_wait3A_178] : memref<4x128xi32, #tpu.memory_space<vmem>> -> memref<1x128xi32, #tpu.memory_space<vmem>>
    %dma_wait3A_180 = tpu.memref_squeeze %dma_wait3A_179 : memref<1x128xi32, #tpu.memory_space<vmem>> -> memref<128xi32, #tpu.memory_space<vmem>>
    %dma_wait3A_181 = arith.constant 0 : i32
    %dma_wait3A_182 = tpu.memref_slice %arg7[%dma_wait3A_181] : memref<1000000xf32, #tpu.memory_space<hbm>> -> memref<1000000xf32, #tpu.memory_space<hbm>>
    tpu.wait_indirect_dma semaphore(%arg21 : memref<!tpu.dma_semaphore, #tpu.memory_space<semaphore_mem>>) src(%dma_wait3A_182 : memref<1000000xf32, #tpu.memory_space<hbm>>) dst(%dma_wait3A_177 : memref<128xf32, #tpu.memory_space<vmem>>)
    %dma_wait3A_183 = arith.constant 1 : i32
    %dma_wait3A_184 = arith.constant 128 : i32
    %dma_wait3A_185 = arith.constant 0 : i32
    %dma_wait3A_186 = tpu.memref_slice %arg12[%dma_wait3A_184, %dma_wait3A_185] : memref<512x32xf32, #tpu.memory_space<vmem>> -> memref<128x32xf32, #tpu.memory_space<vmem>>
    %dma_wait3A_187 = arith.constant 0 : i32
    %dma_wait3A_188 = tpu.memref_slice %arg10[%dma_wait3A_183, %dma_wait3A_187] : memref<4x128xi32, #tpu.memory_space<vmem>> -> memref<1x128xi32, #tpu.memory_space<vmem>>
    %dma_wait3A_189 = tpu.memref_squeeze %dma_wait3A_188 : memref<1x128xi32, #tpu.memory_space<vmem>> -> memref<128xi32, #tpu.memory_space<vmem>>
    %dma_wait3A_190 = arith.constant 0 : i32
    %dma_wait3A_191 = arith.constant 0 : i32
    %dma_wait3A_192 = tpu.memref_slice %arg4[%dma_wait3A_190, %dma_wait3A_191] : memref<1000000x32xf32, #tpu.memory_space<hbm>> -> memref<1000000x32xf32, #tpu.memory_space<hbm>>
    tpu.wait_indirect_dma semaphore(%arg18 : memref<!tpu.dma_semaphore, #tpu.memory_space<semaphore_mem>>) src(%dma_wait3A_192 : memref<1000000x32xf32, #tpu.memory_space<hbm>>) dst(%dma_wait3A_186 : memref<128x32xf32, #tpu.memory_space<vmem>>)
    %dma_wait3A_193 = arith.constant 1 : i32
    %dma_wait3A_194 = arith.constant 128 : i32
    %dma_wait3A_195 = arith.constant 0 : i32
    %dma_wait3A_196 = tpu.memref_slice %arg13[%dma_wait3A_194, %dma_wait3A_195] : memref<512x32xf32, #tpu.memory_space<vmem>> -> memref<128x32xf32, #tpu.memory_space<vmem>>
    %dma_wait3A_197 = arith.constant 0 : i32
    %dma_wait3A_198 = tpu.memref_slice %arg11[%dma_wait3A_193, %dma_wait3A_197] : memref<4x128xi32, #tpu.memory_space<vmem>> -> memref<1x128xi32, #tpu.memory_space<vmem>>
    %dma_wait3A_199 = tpu.memref_squeeze %dma_wait3A_198 : memref<1x128xi32, #tpu.memory_space<vmem>> -> memref<128xi32, #tpu.memory_space<vmem>>
    %dma_wait3A_200 = arith.constant 0 : i32
    %dma_wait3A_201 = arith.constant 0 : i32
    %dma_wait3A_202 = tpu.memref_slice %arg5[%dma_wait3A_200, %dma_wait3A_201] : memref<1000000x32xf32, #tpu.memory_space<hbm>> -> memref<1000000x32xf32, #tpu.memory_space<hbm>>
    tpu.wait_indirect_dma semaphore(%arg19 : memref<!tpu.dma_semaphore, #tpu.memory_space<semaphore_mem>>) src(%dma_wait3A_202 : memref<1000000x32xf32, #tpu.memory_space<hbm>>) dst(%dma_wait3A_196 : memref<128x32xf32, #tpu.memory_space<vmem>>)
    %dma_wait3A_203 = arith.constant 1 : i32
    %dma_wait3A_204 = arith.constant 128 : i32
    %dma_wait3A_205 = tpu.memref_slice %arg14[%dma_wait3A_204] : memref<512xf32, #tpu.memory_space<vmem>> -> memref<128xf32, #tpu.memory_space<vmem>>
    %dma_wait3A_206 = arith.constant 0 : i32
    %dma_wait3A_207 = tpu.memref_slice %arg10[%dma_wait3A_203, %dma_wait3A_206] : memref<4x128xi32, #tpu.memory_space<vmem>> -> memref<1x128xi32, #tpu.memory_space<vmem>>
    %dma_wait3A_208 = tpu.memref_squeeze %dma_wait3A_207 : memref<1x128xi32, #tpu.memory_space<vmem>> -> memref<128xi32, #tpu.memory_space<vmem>>
    %dma_wait3A_209 = arith.constant 0 : i32
    %dma_wait3A_210 = tpu.memref_slice %arg6[%dma_wait3A_209] : memref<1000000xf32, #tpu.memory_space<hbm>> -> memref<1000000xf32, #tpu.memory_space<hbm>>
    tpu.wait_indirect_dma semaphore(%arg20 : memref<!tpu.dma_semaphore, #tpu.memory_space<semaphore_mem>>) src(%dma_wait3A_210 : memref<1000000xf32, #tpu.memory_space<hbm>>) dst(%dma_wait3A_205 : memref<128xf32, #tpu.memory_space<vmem>>)
    %dma_wait3A_211 = arith.constant 1 : i32
    %dma_wait3A_212 = arith.constant 128 : i32
    %dma_wait3A_213 = tpu.memref_slice %arg15[%dma_wait3A_212] : memref<512xf32, #tpu.memory_space<vmem>> -> memref<128xf32, #tpu.memory_space<vmem>>
    %dma_wait3A_214 = arith.constant 0 : i32
    %dma_wait3A_215 = tpu.memref_slice %arg11[%dma_wait3A_211, %dma_wait3A_214] : memref<4x128xi32, #tpu.memory_space<vmem>> -> memref<1x128xi32, #tpu.memory_space<vmem>>
    %dma_wait3A_216 = tpu.memref_squeeze %dma_wait3A_215 : memref<1x128xi32, #tpu.memory_space<vmem>> -> memref<128xi32, #tpu.memory_space<vmem>>
    %dma_wait3A_217 = arith.constant 0 : i32
    %dma_wait3A_218 = tpu.memref_slice %arg7[%dma_wait3A_217] : memref<1000000xf32, #tpu.memory_space<hbm>> -> memref<1000000xf32, #tpu.memory_space<hbm>>
    tpu.wait_indirect_dma semaphore(%arg21 : memref<!tpu.dma_semaphore, #tpu.memory_space<semaphore_mem>>) src(%dma_wait3A_218 : memref<1000000xf32, #tpu.memory_space<hbm>>) dst(%dma_wait3A_213 : memref<128xf32, #tpu.memory_space<vmem>>)
    %dma_wait3A_219 = arith.constant 2 : i32
    %dma_wait3A_220 = arith.constant 256 : i32
    %dma_wait3A_221 = arith.constant 0 : i32
    %dma_wait3A_222 = tpu.memref_slice %arg12[%dma_wait3A_220, %dma_wait3A_221] : memref<512x32xf32, #tpu.memory_space<vmem>> -> memref<128x32xf32, #tpu.memory_space<vmem>>
    %dma_wait3A_223 = arith.constant 0 : i32
    %dma_wait3A_224 = tpu.memref_slice %arg10[%dma_wait3A_219, %dma_wait3A_223] : memref<4x128xi32, #tpu.memory_space<vmem>> -> memref<1x128xi32, #tpu.memory_space<vmem>>
    %dma_wait3A_225 = tpu.memref_squeeze %dma_wait3A_224 : memref<1x128xi32, #tpu.memory_space<vmem>> -> memref<128xi32, #tpu.memory_space<vmem>>
    %dma_wait3A_226 = arith.constant 0 : i32
    %dma_wait3A_227 = arith.constant 0 : i32
    %dma_wait3A_228 = tpu.memref_slice %arg4[%dma_wait3A_226, %dma_wait3A_227] : memref<1000000x32xf32, #tpu.memory_space<hbm>> -> memref<1000000x32xf32, #tpu.memory_space<hbm>>
    tpu.wait_indirect_dma semaphore(%arg18 : memref<!tpu.dma_semaphore, #tpu.memory_space<semaphore_mem>>) src(%dma_wait3A_228 : memref<1000000x32xf32, #tpu.memory_space<hbm>>) dst(%dma_wait3A_222 : memref<128x32xf32, #tpu.memory_space<vmem>>)
    %dma_wait3A_229 = arith.constant 2 : i32
    %dma_wait3A_230 = arith.constant 256 : i32
    %dma_wait3A_231 = arith.constant 0 : i32
    %dma_wait3A_232 = tpu.memref_slice %arg13[%dma_wait3A_230, %dma_wait3A_231] : memref<512x32xf32, #tpu.memory_space<vmem>> -> memref<128x32xf32, #tpu.memory_space<vmem>>
    %dma_wait3A_233 = arith.constant 0 : i32
    %dma_wait3A_234 = tpu.memref_slice %arg11[%dma_wait3A_229, %dma_wait3A_233] : memref<4x128xi32, #tpu.memory_space<vmem>> -> memref<1x128xi32, #tpu.memory_space<vmem>>
    %dma_wait3A_235 = tpu.memref_squeeze %dma_wait3A_234 : memref<1x128xi32, #tpu.memory_space<vmem>> -> memref<128xi32, #tpu.memory_space<vmem>>
    %dma_wait3A_236 = arith.constant 0 : i32
    %dma_wait3A_237 = arith.constant 0 : i32
    %dma_wait3A_238 = tpu.memref_slice %arg5[%dma_wait3A_236, %dma_wait3A_237] : memref<1000000x32xf32, #tpu.memory_space<hbm>> -> memref<1000000x32xf32, #tpu.memory_space<hbm>>
    tpu.wait_indirect_dma semaphore(%arg19 : memref<!tpu.dma_semaphore, #tpu.memory_space<semaphore_mem>>) src(%dma_wait3A_238 : memref<1000000x32xf32, #tpu.memory_space<hbm>>) dst(%dma_wait3A_232 : memref<128x32xf32, #tpu.memory_space<vmem>>)
    %dma_wait3A_239 = arith.constant 2 : i32
    %dma_wait3A_240 = arith.constant 256 : i32
    %dma_wait3A_241 = tpu.memref_slice %arg14[%dma_wait3A_240] : memref<512xf32, #tpu.memory_space<vmem>> -> memref<128xf32, #tpu.memory_space<vmem>>
    %dma_wait3A_242 = arith.constant 0 : i32
    %dma_wait3A_243 = tpu.memref_slice %arg10[%dma_wait3A_239, %dma_wait3A_242] : memref<4x128xi32, #tpu.memory_space<vmem>> -> memref<1x128xi32, #tpu.memory_space<vmem>>
    %dma_wait3A_244 = tpu.memref_squeeze %dma_wait3A_243 : memref<1x128xi32, #tpu.memory_space<vmem>> -> memref<128xi32, #tpu.memory_space<vmem>>
    %dma_wait3A_245 = arith.constant 0 : i32
    %dma_wait3A_246 = tpu.memref_slice %arg6[%dma_wait3A_245] : memref<1000000xf32, #tpu.memory_space<hbm>> -> memref<1000000xf32, #tpu.memory_space<hbm>>
    tpu.wait_indirect_dma semaphore(%arg20 : memref<!tpu.dma_semaphore, #tpu.memory_space<semaphore_mem>>) src(%dma_wait3A_246 : memref<1000000xf32, #tpu.memory_space<hbm>>) dst(%dma_wait3A_241 : memref<128xf32, #tpu.memory_space<vmem>>)
    %dma_wait3A_247 = arith.constant 2 : i32
    %dma_wait3A_248 = arith.constant 256 : i32
    %dma_wait3A_249 = tpu.memref_slice %arg15[%dma_wait3A_248] : memref<512xf32, #tpu.memory_space<vmem>> -> memref<128xf32, #tpu.memory_space<vmem>>
    %dma_wait3A_250 = arith.constant 0 : i32
    %dma_wait3A_251 = tpu.memref_slice %arg11[%dma_wait3A_247, %dma_wait3A_250] : memref<4x128xi32, #tpu.memory_space<vmem>> -> memref<1x128xi32, #tpu.memory_space<vmem>>
    %dma_wait3A_252 = tpu.memref_squeeze %dma_wait3A_251 : memref<1x128xi32, #tpu.memory_space<vmem>> -> memref<128xi32, #tpu.memory_space<vmem>>
    %dma_wait3A_253 = arith.constant 0 : i32
    %dma_wait3A_254 = tpu.memref_slice %arg7[%dma_wait3A_253] : memref<1000000xf32, #tpu.memory_space<hbm>> -> memref<1000000xf32, #tpu.memory_space<hbm>>
    tpu.wait_indirect_dma semaphore(%arg21 : memref<!tpu.dma_semaphore, #tpu.memory_space<semaphore_mem>>) src(%dma_wait3A_254 : memref<1000000xf32, #tpu.memory_space<hbm>>) dst(%dma_wait3A_249 : memref<128xf32, #tpu.memory_space<vmem>>)
    %dma_wait3A_255 = arith.constant 3 : i32
    %dma_wait3A_256 = arith.constant 384 : i32
    %dma_wait3A_257 = arith.constant 0 : i32
    %dma_wait3A_258 = tpu.memref_slice %arg12[%dma_wait3A_256, %dma_wait3A_257] : memref<512x32xf32, #tpu.memory_space<vmem>> -> memref<128x32xf32, #tpu.memory_space<vmem>>
    %dma_wait3A_259 = arith.constant 0 : i32
    %dma_wait3A_260 = tpu.memref_slice %arg10[%dma_wait3A_255, %dma_wait3A_259] : memref<4x128xi32, #tpu.memory_space<vmem>> -> memref<1x128xi32, #tpu.memory_space<vmem>>
    %dma_wait3A_261 = tpu.memref_squeeze %dma_wait3A_260 : memref<1x128xi32, #tpu.memory_space<vmem>> -> memref<128xi32, #tpu.memory_space<vmem>>
    %dma_wait3A_262 = arith.constant 0 : i32
    %dma_wait3A_263 = arith.constant 0 : i32
    %dma_wait3A_264 = tpu.memref_slice %arg4[%dma_wait3A_262, %dma_wait3A_263] : memref<1000000x32xf32, #tpu.memory_space<hbm>> -> memref<1000000x32xf32, #tpu.memory_space<hbm>>
    tpu.wait_indirect_dma semaphore(%arg18 : memref<!tpu.dma_semaphore, #tpu.memory_space<semaphore_mem>>) src(%dma_wait3A_264 : memref<1000000x32xf32, #tpu.memory_space<hbm>>) dst(%dma_wait3A_258 : memref<128x32xf32, #tpu.memory_space<vmem>>)
    %dma_wait3A_265 = arith.constant 3 : i32
    %dma_wait3A_266 = arith.constant 384 : i32
    %dma_wait3A_267 = arith.constant 0 : i32
    %dma_wait3A_268 = tpu.memref_slice %arg13[%dma_wait3A_266, %dma_wait3A_267] : memref<512x32xf32, #tpu.memory_space<vmem>> -> memref<128x32xf32, #tpu.memory_space<vmem>>
    %dma_wait3A_269 = arith.constant 0 : i32
    %dma_wait3A_270 = tpu.memref_slice %arg11[%dma_wait3A_265, %dma_wait3A_269] : memref<4x128xi32, #tpu.memory_space<vmem>> -> memref<1x128xi32, #tpu.memory_space<vmem>>
    %dma_wait3A_271 = tpu.memref_squeeze %dma_wait3A_270 : memref<1x128xi32, #tpu.memory_space<vmem>> -> memref<128xi32, #tpu.memory_space<vmem>>
    %dma_wait3A_272 = arith.constant 0 : i32
    %dma_wait3A_273 = arith.constant 0 : i32
    %dma_wait3A_274 = tpu.memref_slice %arg5[%dma_wait3A_272, %dma_wait3A_273] : memref<1000000x32xf32, #tpu.memory_space<hbm>> -> memref<1000000x32xf32, #tpu.memory_space<hbm>>
    tpu.wait_indirect_dma semaphore(%arg19 : memref<!tpu.dma_semaphore, #tpu.memory_space<semaphore_mem>>) src(%dma_wait3A_274 : memref<1000000x32xf32, #tpu.memory_space<hbm>>) dst(%dma_wait3A_268 : memref<128x32xf32, #tpu.memory_space<vmem>>)
    %dma_wait3A_275 = arith.constant 3 : i32
    %dma_wait3A_276 = arith.constant 384 : i32
    %dma_wait3A_277 = tpu.memref_slice %arg14[%dma_wait3A_276] : memref<512xf32, #tpu.memory_space<vmem>> -> memref<128xf32, #tpu.memory_space<vmem>>
    %dma_wait3A_278 = arith.constant 0 : i32
    %dma_wait3A_279 = tpu.memref_slice %arg10[%dma_wait3A_275, %dma_wait3A_278] : memref<4x128xi32, #tpu.memory_space<vmem>> -> memref<1x128xi32, #tpu.memory_space<vmem>>
    %dma_wait3A_280 = tpu.memref_squeeze %dma_wait3A_279 : memref<1x128xi32, #tpu.memory_space<vmem>> -> memref<128xi32, #tpu.memory_space<vmem>>
    %dma_wait3A_281 = arith.constant 0 : i32
    %dma_wait3A_282 = tpu.memref_slice %arg6[%dma_wait3A_281] : memref<1000000xf32, #tpu.memory_space<hbm>> -> memref<1000000xf32, #tpu.memory_space<hbm>>
    tpu.wait_indirect_dma semaphore(%arg20 : memref<!tpu.dma_semaphore, #tpu.memory_space<semaphore_mem>>) src(%dma_wait3A_282 : memref<1000000xf32, #tpu.memory_space<hbm>>) dst(%dma_wait3A_277 : memref<128xf32, #tpu.memory_space<vmem>>)
    %dma_wait3A_283 = arith.constant 3 : i32
    %dma_wait3A_284 = arith.constant 384 : i32
    %dma_wait3A_285 = tpu.memref_slice %arg15[%dma_wait3A_284] : memref<512xf32, #tpu.memory_space<vmem>> -> memref<128xf32, #tpu.memory_space<vmem>>
    %dma_wait3A_286 = arith.constant 0 : i32
    %dma_wait3A_287 = tpu.memref_slice %arg11[%dma_wait3A_283, %dma_wait3A_286] : memref<4x128xi32, #tpu.memory_space<vmem>> -> memref<1x128xi32, #tpu.memory_space<vmem>>
    %dma_wait3A_288 = tpu.memref_squeeze %dma_wait3A_287 : memref<1x128xi32, #tpu.memory_space<vmem>> -> memref<128xi32, #tpu.memory_space<vmem>>
    %dma_wait3A_289 = arith.constant 0 : i32
    %dma_wait3A_290 = tpu.memref_slice %arg7[%dma_wait3A_289] : memref<1000000xf32, #tpu.memory_space<hbm>> -> memref<1000000xf32, #tpu.memory_space<hbm>>
    tpu.wait_indirect_dma semaphore(%arg21 : memref<!tpu.dma_semaphore, #tpu.memory_space<semaphore_mem>>) src(%dma_wait3A_290 : memref<1000000xf32, #tpu.memory_space<hbm>>) dst(%dma_wait3A_285 : memref<128xf32, #tpu.memory_space<vmem>>)
    %broadcast_in_dim3A = arith.constant 0.000000e+00 : f32
    %broadcast_in_dim3A_291 = vector.broadcast %broadcast_in_dim3A : f32 to vector<16xf32>
    %scan3A = arith.constant 0 : i32
    %scan3A_292 = arith.constant 512 : i32
    %scan3A_293 = arith.addi %scan3A, %scan3A_292 : i32
    %scan3A_294 = arith.constant 4 : i32
    %scan3A_295 = scf.for %scan3A_651 = %scan3A to %scan3A_293 step %scan3A_294 iter_args(%scan3A_652 = %broadcast_in_dim3A_291) -> (vector<16xf32>)  : i32 {
      %get3A_653 = arith.index_cast %scan3A_651 : i32 to index
      %get3A_654 = arith.constant 0 : index
      %get3A_655 = tpu.vector_load %arg12[%get3A_653, %get3A_654] {strides = array<i32>} : memref<512x32xf32, #tpu.memory_space<vmem>>, vector<1x16xf32>,
      %get3A_656 = vector.shape_cast %get3A_655 : vector<1x16xf32> to vector<16xf32>
      %get3A_657 = arith.index_cast %scan3A_651 : i32 to index
      %get3A_658 = arith.constant 0 : index
      %get3A_659 = tpu.vector_load %arg13[%get3A_657, %get3A_658] {strides = array<i32>} : memref<512x32xf32, #tpu.memory_space<vmem>>, vector<1x16xf32>,
      %get3A_660 = vector.shape_cast %get3A_659 : vector<1x16xf32> to vector<16xf32>
      %get3A_661 = arith.index_cast %scan3A_651 : i32 to index
      %get3A_662 = arith.constant 16 : index
      %get3A_663 = tpu.vector_load %arg12[%get3A_661, %get3A_662] {strides = array<i32>} : memref<512x32xf32, #tpu.memory_space<vmem>>, vector<1x16xf32>,
      %get3A_664 = vector.shape_cast %get3A_663 : vector<1x16xf32> to vector<16xf32>
      %get3A_665 = arith.index_cast %scan3A_651 : i32 to index
      %get3A_666 = arith.constant 16 : index
      %get3A_667 = tpu.vector_load %arg13[%get3A_665, %get3A_666] {strides = array<i32>} : memref<512x32xf32, #tpu.memory_space<vmem>>, vector<1x16xf32>,
      %get3A_668 = vector.shape_cast %get3A_667 : vector<1x16xf32> to vector<16xf32>
      %mul3A_669 = arith.mulf %get3A_656, %get3A_660 : vector<16xf32>
      %add3A_670 = arith.addf %scan3A_652, %mul3A_669 : vector<16xf32>
      %mul3A_671 = arith.mulf %get3A_664, %get3A_668 : vector<16xf32>
      %add3A_672 = arith.addf %add3A_670, %mul3A_671 : vector<16xf32>
      %scan3A_673 = arith.constant 1 : i32
      %scan3A_674 = arith.addi %scan3A_651, %scan3A_673 : i32
      %get3A_675 = arith.index_cast %scan3A_674 : i32 to index
      %get3A_676 = arith.constant 0 : index
      %get3A_677 = tpu.vector_load %arg12[%get3A_675, %get3A_676] {strides = array<i32>} : memref<512x32xf32, #tpu.memory_space<vmem>>, vector<1x16xf32>,
      %get3A_678 = vector.shape_cast %get3A_677 : vector<1x16xf32> to vector<16xf32>
      %get3A_679 = arith.index_cast %scan3A_674 : i32 to index
      %get3A_680 = arith.constant 0 : index
      %get3A_681 = tpu.vector_load %arg13[%get3A_679, %get3A_680] {strides = array<i32>} : memref<512x32xf32, #tpu.memory_space<vmem>>, vector<1x16xf32>,
      %get3A_682 = vector.shape_cast %get3A_681 : vector<1x16xf32> to vector<16xf32>
      %get3A_683 = arith.index_cast %scan3A_674 : i32 to index
      %get3A_684 = arith.constant 16 : index
      %get3A_685 = tpu.vector_load %arg12[%get3A_683, %get3A_684] {strides = array<i32>} : memref<512x32xf32, #tpu.memory_space<vmem>>, vector<1x16xf32>,
      %get3A_686 = vector.shape_cast %get3A_685 : vector<1x16xf32> to vector<16xf32>
      %get3A_687 = arith.index_cast %scan3A_674 : i32 to index
      %get3A_688 = arith.constant 16 : index
      %get3A_689 = tpu.vector_load %arg13[%get3A_687, %get3A_688] {strides = array<i32>} : memref<512x32xf32, #tpu.memory_space<vmem>>, vector<1x16xf32>,
      %get3A_690 = vector.shape_cast %get3A_689 : vector<1x16xf32> to vector<16xf32>
      %mul3A_691 = arith.mulf %get3A_678, %get3A_682 : vector<16xf32>
      %add3A_692 = arith.addf %add3A_672, %mul3A_691 : vector<16xf32>
      %mul3A_693 = arith.mulf %get3A_686, %get3A_690 : vector<16xf32>
      %add3A_694 = arith.addf %add3A_692, %mul3A_693 : vector<16xf32>
      %scan3A_695 = arith.constant 2 : i32
      %scan3A_696 = arith.addi %scan3A_651, %scan3A_695 : i32
      %get3A_697 = arith.index_cast %scan3A_696 : i32 to index
      %get3A_698 = arith.constant 0 : index
      %get3A_699 = tpu.vector_load %arg12[%get3A_697, %get3A_698] {strides = array<i32>} : memref<512x32xf32, #tpu.memory_space<vmem>>, vector<1x16xf32>,
      %get3A_700 = vector.shape_cast %get3A_699 : vector<1x16xf32> to vector<16xf32>
      %get3A_701 = arith.index_cast %scan3A_696 : i32 to index
      %get3A_702 = arith.constant 0 : index
      %get3A_703 = tpu.vector_load %arg13[%get3A_701, %get3A_702] {strides = array<i32>} : memref<512x32xf32, #tpu.memory_space<vmem>>, vector<1x16xf32>,
      %get3A_704 = vector.shape_cast %get3A_703 : vector<1x16xf32> to vector<16xf32>
      %get3A_705 = arith.index_cast %scan3A_696 : i32 to index
      %get3A_706 = arith.constant 16 : index
      %get3A_707 = tpu.vector_load %arg12[%get3A_705, %get3A_706] {strides = array<i32>} : memref<512x32xf32, #tpu.memory_space<vmem>>, vector<1x16xf32>,
      %get3A_708 = vector.shape_cast %get3A_707 : vector<1x16xf32> to vector<16xf32>
      %get3A_709 = arith.index_cast %scan3A_696 : i32 to index
      %get3A_710 = arith.constant 16 : index
      %get3A_711 = tpu.vector_load %arg13[%get3A_709, %get3A_710] {strides = array<i32>} : memref<512x32xf32, #tpu.memory_space<vmem>>, vector<1x16xf32>,
      %get3A_712 = vector.shape_cast %get3A_711 : vector<1x16xf32> to vector<16xf32>
      %mul3A_713 = arith.mulf %get3A_700, %get3A_704 : vector<16xf32>
      %add3A_714 = arith.addf %add3A_694, %mul3A_713 : vector<16xf32>
      %mul3A_715 = arith.mulf %get3A_708, %get3A_712 : vector<16xf32>
      %add3A_716 = arith.addf %add3A_714, %mul3A_715 : vector<16xf32>
      %scan3A_717 = arith.constant 3 : i32
      %scan3A_718 = arith.addi %scan3A_651, %scan3A_717 : i32
      %get3A_719 = arith.index_cast %scan3A_718 : i32 to index
      %get3A_720 = arith.constant 0 : index
      %get3A_721 = tpu.vector_load %arg12[%get3A_719, %get3A_720] {strides = array<i32>} : memref<512x32xf32, #tpu.memory_space<vmem>>, vector<1x16xf32>,
      %get3A_722 = vector.shape_cast %get3A_721 : vector<1x16xf32> to vector<16xf32>
      %get3A_723 = arith.index_cast %scan3A_718 : i32 to index
      %get3A_724 = arith.constant 0 : index
      %get3A_725 = tpu.vector_load %arg13[%get3A_723, %get3A_724] {strides = array<i32>} : memref<512x32xf32, #tpu.memory_space<vmem>>, vector<1x16xf32>,
      %get3A_726 = vector.shape_cast %get3A_725 : vector<1x16xf32> to vector<16xf32>
      %get3A_727 = arith.index_cast %scan3A_718 : i32 to index
      %get3A_728 = arith.constant 16 : index
      %get3A_729 = tpu.vector_load %arg12[%get3A_727, %get3A_728] {strides = array<i32>} : memref<512x32xf32, #tpu.memory_space<vmem>>, vector<1x16xf32>,
      %get3A_730 = vector.shape_cast %get3A_729 : vector<1x16xf32> to vector<16xf32>
      %get3A_731 = arith.index_cast %scan3A_718 : i32 to index
      %get3A_732 = arith.constant 16 : index
      %get3A_733 = tpu.vector_load %arg13[%get3A_731, %get3A_732] {strides = array<i32>} : memref<512x32xf32, #tpu.memory_space<vmem>>, vector<1x16xf32>,
      %get3A_734 = vector.shape_cast %get3A_733 : vector<1x16xf32> to vector<16xf32>
      %mul3A_735 = arith.mulf %get3A_722, %get3A_726 : vector<16xf32>
      %add3A_736 = arith.addf %add3A_716, %mul3A_735 : vector<16xf32>
      %mul3A_737 = arith.mulf %get3A_730, %get3A_734 : vector<16xf32>
      %add3A_738 = arith.addf %add3A_736, %mul3A_737 : vector<16xf32>
      scf.yield %add3A_738 : vector<16xf32>
    }
    %scan3A_296 = arith.constant 512 : i32
    %swap3A = arith.constant 0 : index
    %swap3A_297 = tpu.vector_load %arg16[%swap3A] {strides = array<i32>} : memref<16xf32, #tpu.memory_space<vmem>>, vector<16xf32>,
    %swap3A_298 = vector.shape_cast %swap3A_297 : vector<16xf32> to vector<16xf32>
    %swap3A_299 = vector.shape_cast %scan3A_295 : vector<16xf32> to vector<16xf32>
    tpu.vector_store %arg16[%swap3A], %swap3A_299 {strides = array<i32>} : memref<16xf32, #tpu.memory_space<vmem>>, vector<16xf32>,
    "tpu.region"() ({
      %run_scoped3A = tpu.sem_alloc : memref<!tpu.dma_semaphore, #tpu.memory_space<semaphore_mem>>
      %dma_start3A_651 = arith.constant 0 : i32
      %dma_start3A_652 = tpu.memref_slice %arg8[%add3A, %dma_start3A_651] : memref<32x16xf32, #tpu.memory_space<hbm>> -> memref<1x16xf32, #tpu.memory_space<hbm>>
      %dma_start3A_653 = tpu.memref_squeeze %dma_start3A_652 : memref<1x16xf32, #tpu.memory_space<hbm>> -> memref<16xf32, #tpu.memory_space<hbm>>
      %dma_start3A_654 = arith.constant 0 : i32
      %dma_start3A_655 = tpu.memref_slice %arg8[%add3A, %dma_start3A_654] : memref<32x16xf32, #tpu.memory_space<hbm>> -> memref<1x16xf32, #tpu.memory_space<hbm>>
      %dma_start3A_656 = tpu.memref_squeeze %dma_start3A_655 : memref<1x16xf32, #tpu.memory_space<hbm>> -> memref<16xf32, #tpu.memory_space<hbm>>
      tpu.enqueue_dma source(%arg16 : memref<16xf32, #tpu.memory_space<vmem>>) target(%dma_start3A_656 : memref<16xf32, #tpu.memory_space<hbm>>) target_semaphore(%run_scoped3A : memref<!tpu.dma_semaphore, #tpu.memory_space<semaphore_mem>>)
      %dma_wait3A_657 = arith.constant 0 : i32
      %dma_wait3A_658 = tpu.memref_slice %arg8[%add3A, %dma_wait3A_657] : memref<32x16xf32, #tpu.memory_space<hbm>> -> memref<1x16xf32, #tpu.memory_space<hbm>>
      %dma_wait3A_659 = tpu.memref_squeeze %dma_wait3A_658 : memref<1x16xf32, #tpu.memory_space<hbm>> -> memref<16xf32, #tpu.memory_space<hbm>>
      %dma_wait3A_660 = arith.constant 0 : i32
      %dma_wait3A_661 = tpu.memref_slice %arg8[%add3A, %dma_wait3A_660] : memref<32x16xf32, #tpu.memory_space<hbm>> -> memref<1x16xf32, #tpu.memory_space<hbm>>
      %dma_wait3A_662 = tpu.memref_squeeze %dma_wait3A_661 : memref<1x16xf32, #tpu.memory_space<hbm>> -> memref<16xf32, #tpu.memory_space<hbm>>
      tpu.wait_dma2 semaphore(%run_scoped3A : memref<!tpu.dma_semaphore, #tpu.memory_space<semaphore_mem>>) src(%arg16 : memref<16xf32, #tpu.memory_space<vmem>>) dst(%dma_wait3A_662 : memref<16xf32, #tpu.memory_space<hbm>>)
      tpu.yield
    }) : () -> ()
    %get3A = arith.constant 0 : index
    %get3A_300 = tpu.vector_load %arg14[%get3A] {strides = array<i32>} : memref<512xf32, #tpu.memory_space<vmem>>, vector<16xf32>,
    %get3A_301 = vector.shape_cast %get3A_300 : vector<16xf32> to vector<16xf32>
    %get3A_302 = arith.constant 0 : index
    %get3A_303 = tpu.vector_load %arg15[%get3A_302] {strides = array<i32>} : memref<512xf32, #tpu.memory_space<vmem>>, vector<16xf32>,
    %get3A_304 = vector.shape_cast %get3A_303 : vector<16xf32> to vector<16xf32>
    %add3A_305 = arith.addf %get3A_301, %get3A_304 : vector<16xf32>
    %swap3A_306 = arith.constant 0 : index
    %swap3A_307 = tpu.vector_load %arg17[%swap3A_306] {strides = array<i32>} : memref<512xf32, #tpu.memory_space<vmem>>, vector<16xf32>,
    %swap3A_308 = vector.shape_cast %swap3A_307 : vector<16xf32> to vector<16xf32>
    %swap3A_309 = vector.shape_cast %add3A_305 : vector<16xf32> to vector<16xf32>
    tpu.vector_store %arg17[%swap3A_306], %swap3A_309 {strides = array<i32>} : memref<512xf32, #tpu.memory_space<vmem>>, vector<16xf32>,
    %get3A_310 = arith.constant 16 : index
    %get3A_311 = tpu.vector_load %arg14[%get3A_310] {strides = array<i32>} : memref<512xf32, #tpu.memory_space<vmem>>, vector<16xf32>,
    %get3A_312 = vector.shape_cast %get3A_311 : vector<16xf32> to vector<16xf32>
    %get3A_313 = arith.constant 16 : index
    %get3A_314 = tpu.vector_load %arg15[%get3A_313] {strides = array<i32>} : memref<512xf32, #tpu.memory_space<vmem>>, vector<16xf32>,
    %get3A_315 = vector.shape_cast %get3A_314 : vector<16xf32> to vector<16xf32>
    %add3A_316 = arith.addf %get3A_312, %get3A_315 : vector<16xf32>
    %swap3A_317 = arith.constant 16 : index
    %swap3A_318 = tpu.vector_load %arg17[%swap3A_317] {strides = array<i32>} : memref<512xf32, #tpu.memory_space<vmem>>, vector<16xf32>,
    %swap3A_319 = vector.shape_cast %swap3A_318 : vector<16xf32> to vector<16xf32>
    %swap3A_320 = vector.shape_cast %add3A_316 : vector<16xf32> to vector<16xf32>
    tpu.vector_store %arg17[%swap3A_317], %swap3A_320 {strides = array<i32>} : memref<512xf32, #tpu.memory_space<vmem>>, vector<16xf32>,
    %get3A_321 = arith.constant 32 : index
    %get3A_322 = tpu.vector_load %arg14[%get3A_321] {strides = array<i32>} : memref<512xf32, #tpu.memory_space<vmem>>, vector<16xf32>,
    %get3A_323 = vector.shape_cast %get3A_322 : vector<16xf32> to vector<16xf32>
    %get3A_324 = arith.constant 32 : index
    %get3A_325 = tpu.vector_load %arg15[%get3A_324] {strides = array<i32>} : memref<512xf32, #tpu.memory_space<vmem>>, vector<16xf32>,
    %get3A_326 = vector.shape_cast %get3A_325 : vector<16xf32> to vector<16xf32>
    %add3A_327 = arith.addf %get3A_323, %get3A_326 : vector<16xf32>
    %swap3A_328 = arith.constant 32 : index
    %swap3A_329 = tpu.vector_load %arg17[%swap3A_328] {strides = array<i32>} : memref<512xf32, #tpu.memory_space<vmem>>, vector<16xf32>,
    %swap3A_330 = vector.shape_cast %swap3A_329 : vector<16xf32> to vector<16xf32>
    %swap3A_331 = vector.shape_cast %add3A_327 : vector<16xf32> to vector<16xf32>
    tpu.vector_store %arg17[%swap3A_328], %swap3A_331 {strides = array<i32>} : memref<512xf32, #tpu.memory_space<vmem>>, vector<16xf32>,
    %get3A_332 = arith.constant 48 : index
    %get3A_333 = tpu.vector_load %arg14[%get3A_332] {strides = array<i32>} : memref<512xf32, #tpu.memory_space<vmem>>, vector<16xf32>,
    %get3A_334 = vector.shape_cast %get3A_333 : vector<16xf32> to vector<16xf32>
    %get3A_335 = arith.constant 48 : index
    %get3A_336 = tpu.vector_load %arg15[%get3A_335] {strides = array<i32>} : memref<512xf32, #tpu.memory_space<vmem>>, vector<16xf32>,
    %get3A_337 = vector.shape_cast %get3A_336 : vector<16xf32> to vector<16xf32>
    %add3A_338 = arith.addf %get3A_334, %get3A_337 : vector<16xf32>
    %swap3A_339 = arith.constant 48 : index
    %swap3A_340 = tpu.vector_load %arg17[%swap3A_339] {strides = array<i32>} : memref<512xf32, #tpu.memory_space<vmem>>, vector<16xf32>,
    %swap3A_341 = vector.shape_cast %swap3A_340 : vector<16xf32> to vector<16xf32>
    %swap3A_342 = vector.shape_cast %add3A_338 : vector<16xf32> to vector<16xf32>
    tpu.vector_store %arg17[%swap3A_339], %swap3A_342 {strides = array<i32>} : memref<512xf32, #tpu.memory_space<vmem>>, vector<16xf32>,
    %get3A_343 = arith.constant 64 : index
    %get3A_344 = tpu.vector_load %arg14[%get3A_343] {strides = array<i32>} : memref<512xf32, #tpu.memory_space<vmem>>, vector<16xf32>,
    %get3A_345 = vector.shape_cast %get3A_344 : vector<16xf32> to vector<16xf32>
    %get3A_346 = arith.constant 64 : index
    %get3A_347 = tpu.vector_load %arg15[%get3A_346] {strides = array<i32>} : memref<512xf32, #tpu.memory_space<vmem>>, vector<16xf32>,
    %get3A_348 = vector.shape_cast %get3A_347 : vector<16xf32> to vector<16xf32>
    %add3A_349 = arith.addf %get3A_345, %get3A_348 : vector<16xf32>
    %swap3A_350 = arith.constant 64 : index
    %swap3A_351 = tpu.vector_load %arg17[%swap3A_350] {strides = array<i32>} : memref<512xf32, #tpu.memory_space<vmem>>, vector<16xf32>,
    %swap3A_352 = vector.shape_cast %swap3A_351 : vector<16xf32> to vector<16xf32>
    %swap3A_353 = vector.shape_cast %add3A_349 : vector<16xf32> to vector<16xf32>
    tpu.vector_store %arg17[%swap3A_350], %swap3A_353 {strides = array<i32>} : memref<512xf32, #tpu.memory_space<vmem>>, vector<16xf32>,
    %get3A_354 = arith.constant 80 : index
    %get3A_355 = tpu.vector_load %arg14[%get3A_354] {strides = array<i32>} : memref<512xf32, #tpu.memory_space<vmem>>, vector<16xf32>,
    %get3A_356 = vector.shape_cast %get3A_355 : vector<16xf32> to vector<16xf32>
    %get3A_357 = arith.constant 80 : index
    %get3A_358 = tpu.vector_load %arg15[%get3A_357] {strides = array<i32>} : memref<512xf32, #tpu.memory_space<vmem>>, vector<16xf32>,
    %get3A_359 = vector.shape_cast %get3A_358 : vector<16xf32> to vector<16xf32>
    %add3A_360 = arith.addf %get3A_356, %get3A_359 : vector<16xf32>
    %swap3A_361 = arith.constant 80 : index
    %swap3A_362 = tpu.vector_load %arg17[%swap3A_361] {strides = array<i32>} : memref<512xf32, #tpu.memory_space<vmem>>, vector<16xf32>,
    %swap3A_363 = vector.shape_cast %swap3A_362 : vector<16xf32> to vector<16xf32>
    %swap3A_364 = vector.shape_cast %add3A_360 : vector<16xf32> to vector<16xf32>
    tpu.vector_store %arg17[%swap3A_361], %swap3A_364 {strides = array<i32>} : memref<512xf32, #tpu.memory_space<vmem>>, vector<16xf32>,
    %get3A_365 = arith.constant 96 : index
    %get3A_366 = tpu.vector_load %arg14[%get3A_365] {strides = array<i32>} : memref<512xf32, #tpu.memory_space<vmem>>, vector<16xf32>,
    %get3A_367 = vector.shape_cast %get3A_366 : vector<16xf32> to vector<16xf32>
    %get3A_368 = arith.constant 96 : index
    %get3A_369 = tpu.vector_load %arg15[%get3A_368] {strides = array<i32>} : memref<512xf32, #tpu.memory_space<vmem>>, vector<16xf32>,
    %get3A_370 = vector.shape_cast %get3A_369 : vector<16xf32> to vector<16xf32>
    %add3A_371 = arith.addf %get3A_367, %get3A_370 : vector<16xf32>
    %swap3A_372 = arith.constant 96 : index
    %swap3A_373 = tpu.vector_load %arg17[%swap3A_372] {strides = array<i32>} : memref<512xf32, #tpu.memory_space<vmem>>, vector<16xf32>,
    %swap3A_374 = vector.shape_cast %swap3A_373 : vector<16xf32> to vector<16xf32>
    %swap3A_375 = vector.shape_cast %add3A_371 : vector<16xf32> to vector<16xf32>
    tpu.vector_store %arg17[%swap3A_372], %swap3A_375 {strides = array<i32>} : memref<512xf32, #tpu.memory_space<vmem>>, vector<16xf32>,
    %get3A_376 = arith.constant 112 : index
    %get3A_377 = tpu.vector_load %arg14[%get3A_376] {strides = array<i32>} : memref<512xf32, #tpu.memory_space<vmem>>, vector<16xf32>,
    %get3A_378 = vector.shape_cast %get3A_377 : vector<16xf32> to vector<16xf32>
    %get3A_379 = arith.constant 112 : index
    %get3A_380 = tpu.vector_load %arg15[%get3A_379] {strides = array<i32>} : memref<512xf32, #tpu.memory_space<vmem>>, vector<16xf32>,
    %get3A_381 = vector.shape_cast %get3A_380 : vector<16xf32> to vector<16xf32>
    %add3A_382 = arith.addf %get3A_378, %get3A_381 : vector<16xf32>
    %swap3A_383 = arith.constant 112 : index
    %swap3A_384 = tpu.vector_load %arg17[%swap3A_383] {strides = array<i32>} : memref<512xf32, #tpu.memory_space<vmem>>, vector<16xf32>,
    %swap3A_385 = vector.shape_cast %swap3A_384 : vector<16xf32> to vector<16xf32>
    %swap3A_386 = vector.shape_cast %add3A_382 : vector<16xf32> to vector<16xf32>
    tpu.vector_store %arg17[%swap3A_383], %swap3A_386 {strides = array<i32>} : memref<512xf32, #tpu.memory_space<vmem>>, vector<16xf32>,
    %get3A_387 = arith.constant 128 : index
    %get3A_388 = tpu.vector_load %arg14[%get3A_387] {strides = array<i32>} : memref<512xf32, #tpu.memory_space<vmem>>, vector<16xf32>,
    %get3A_389 = vector.shape_cast %get3A_388 : vector<16xf32> to vector<16xf32>
    %get3A_390 = arith.constant 128 : index
    %get3A_391 = tpu.vector_load %arg15[%get3A_390] {strides = array<i32>} : memref<512xf32, #tpu.memory_space<vmem>>, vector<16xf32>,
    %get3A_392 = vector.shape_cast %get3A_391 : vector<16xf32> to vector<16xf32>
    %add3A_393 = arith.addf %get3A_389, %get3A_392 : vector<16xf32>
    %swap3A_394 = arith.constant 128 : index
    %swap3A_395 = tpu.vector_load %arg17[%swap3A_394] {strides = array<i32>} : memref<512xf32, #tpu.memory_space<vmem>>, vector<16xf32>,
    %swap3A_396 = vector.shape_cast %swap3A_395 : vector<16xf32> to vector<16xf32>
    %swap3A_397 = vector.shape_cast %add3A_393 : vector<16xf32> to vector<16xf32>
    tpu.vector_store %arg17[%swap3A_394], %swap3A_397 {strides = array<i32>} : memref<512xf32, #tpu.memory_space<vmem>>, vector<16xf32>,
    %get3A_398 = arith.constant 144 : index
    %get3A_399 = tpu.vector_load %arg14[%get3A_398] {strides = array<i32>} : memref<512xf32, #tpu.memory_space<vmem>>, vector<16xf32>,
    %get3A_400 = vector.shape_cast %get3A_399 : vector<16xf32> to vector<16xf32>
    %get3A_401 = arith.constant 144 : index
    %get3A_402 = tpu.vector_load %arg15[%get3A_401] {strides = array<i32>} : memref<512xf32, #tpu.memory_space<vmem>>, vector<16xf32>,
    %get3A_403 = vector.shape_cast %get3A_402 : vector<16xf32> to vector<16xf32>
    %add3A_404 = arith.addf %get3A_400, %get3A_403 : vector<16xf32>
    %swap3A_405 = arith.constant 144 : index
    %swap3A_406 = tpu.vector_load %arg17[%swap3A_405] {strides = array<i32>} : memref<512xf32, #tpu.memory_space<vmem>>, vector<16xf32>,
    %swap3A_407 = vector.shape_cast %swap3A_406 : vector<16xf32> to vector<16xf32>
    %swap3A_408 = vector.shape_cast %add3A_404 : vector<16xf32> to vector<16xf32>
    tpu.vector_store %arg17[%swap3A_405], %swap3A_408 {strides = array<i32>} : memref<512xf32, #tpu.memory_space<vmem>>, vector<16xf32>,
    %get3A_409 = arith.constant 160 : index
    %get3A_410 = tpu.vector_load %arg14[%get3A_409] {strides = array<i32>} : memref<512xf32, #tpu.memory_space<vmem>>, vector<16xf32>,
    %get3A_411 = vector.shape_cast %get3A_410 : vector<16xf32> to vector<16xf32>
    %get3A_412 = arith.constant 160 : index
    %get3A_413 = tpu.vector_load %arg15[%get3A_412] {strides = array<i32>} : memref<512xf32, #tpu.memory_space<vmem>>, vector<16xf32>,
    %get3A_414 = vector.shape_cast %get3A_413 : vector<16xf32> to vector<16xf32>
    %add3A_415 = arith.addf %get3A_411, %get3A_414 : vector<16xf32>
    %swap3A_416 = arith.constant 160 : index
    %swap3A_417 = tpu.vector_load %arg17[%swap3A_416] {strides = array<i32>} : memref<512xf32, #tpu.memory_space<vmem>>, vector<16xf32>,
    %swap3A_418 = vector.shape_cast %swap3A_417 : vector<16xf32> to vector<16xf32>
    %swap3A_419 = vector.shape_cast %add3A_415 : vector<16xf32> to vector<16xf32>
    tpu.vector_store %arg17[%swap3A_416], %swap3A_419 {strides = array<i32>} : memref<512xf32, #tpu.memory_space<vmem>>, vector<16xf32>,
    %get3A_420 = arith.constant 176 : index
    %get3A_421 = tpu.vector_load %arg14[%get3A_420] {strides = array<i32>} : memref<512xf32, #tpu.memory_space<vmem>>, vector<16xf32>,
    %get3A_422 = vector.shape_cast %get3A_421 : vector<16xf32> to vector<16xf32>
    %get3A_423 = arith.constant 176 : index
    %get3A_424 = tpu.vector_load %arg15[%get3A_423] {strides = array<i32>} : memref<512xf32, #tpu.memory_space<vmem>>, vector<16xf32>,
    %get3A_425 = vector.shape_cast %get3A_424 : vector<16xf32> to vector<16xf32>
    %add3A_426 = arith.addf %get3A_422, %get3A_425 : vector<16xf32>
    %swap3A_427 = arith.constant 176 : index
    %swap3A_428 = tpu.vector_load %arg17[%swap3A_427] {strides = array<i32>} : memref<512xf32, #tpu.memory_space<vmem>>, vector<16xf32>,
    %swap3A_429 = vector.shape_cast %swap3A_428 : vector<16xf32> to vector<16xf32>
    %swap3A_430 = vector.shape_cast %add3A_426 : vector<16xf32> to vector<16xf32>
    tpu.vector_store %arg17[%swap3A_427], %swap3A_430 {strides = array<i32>} : memref<512xf32, #tpu.memory_space<vmem>>, vector<16xf32>,
    %get3A_431 = arith.constant 192 : index
    %get3A_432 = tpu.vector_load %arg14[%get3A_431] {strides = array<i32>} : memref<512xf32, #tpu.memory_space<vmem>>, vector<16xf32>,
    %get3A_433 = vector.shape_cast %get3A_432 : vector<16xf32> to vector<16xf32>
    %get3A_434 = arith.constant 192 : index
    %get3A_435 = tpu.vector_load %arg15[%get3A_434] {strides = array<i32>} : memref<512xf32, #tpu.memory_space<vmem>>, vector<16xf32>,
    %get3A_436 = vector.shape_cast %get3A_435 : vector<16xf32> to vector<16xf32>
    %add3A_437 = arith.addf %get3A_433, %get3A_436 : vector<16xf32>
    %swap3A_438 = arith.constant 192 : index
    %swap3A_439 = tpu.vector_load %arg17[%swap3A_438] {strides = array<i32>} : memref<512xf32, #tpu.memory_space<vmem>>, vector<16xf32>,
    %swap3A_440 = vector.shape_cast %swap3A_439 : vector<16xf32> to vector<16xf32>
    %swap3A_441 = vector.shape_cast %add3A_437 : vector<16xf32> to vector<16xf32>
    tpu.vector_store %arg17[%swap3A_438], %swap3A_441 {strides = array<i32>} : memref<512xf32, #tpu.memory_space<vmem>>, vector<16xf32>,
    %get3A_442 = arith.constant 208 : index
    %get3A_443 = tpu.vector_load %arg14[%get3A_442] {strides = array<i32>} : memref<512xf32, #tpu.memory_space<vmem>>, vector<16xf32>,
    %get3A_444 = vector.shape_cast %get3A_443 : vector<16xf32> to vector<16xf32>
    %get3A_445 = arith.constant 208 : index
    %get3A_446 = tpu.vector_load %arg15[%get3A_445] {strides = array<i32>} : memref<512xf32, #tpu.memory_space<vmem>>, vector<16xf32>,
    %get3A_447 = vector.shape_cast %get3A_446 : vector<16xf32> to vector<16xf32>
    %add3A_448 = arith.addf %get3A_444, %get3A_447 : vector<16xf32>
    %swap3A_449 = arith.constant 208 : index
    %swap3A_450 = tpu.vector_load %arg17[%swap3A_449] {strides = array<i32>} : memref<512xf32, #tpu.memory_space<vmem>>, vector<16xf32>,
    %swap3A_451 = vector.shape_cast %swap3A_450 : vector<16xf32> to vector<16xf32>
    %swap3A_452 = vector.shape_cast %add3A_448 : vector<16xf32> to vector<16xf32>
    tpu.vector_store %arg17[%swap3A_449], %swap3A_452 {strides = array<i32>} : memref<512xf32, #tpu.memory_space<vmem>>, vector<16xf32>,
    %get3A_453 = arith.constant 224 : index
    %get3A_454 = tpu.vector_load %arg14[%get3A_453] {strides = array<i32>} : memref<512xf32, #tpu.memory_space<vmem>>, vector<16xf32>,
    %get3A_455 = vector.shape_cast %get3A_454 : vector<16xf32> to vector<16xf32>
    %get3A_456 = arith.constant 224 : index
    %get3A_457 = tpu.vector_load %arg15[%get3A_456] {strides = array<i32>} : memref<512xf32, #tpu.memory_space<vmem>>, vector<16xf32>,
    %get3A_458 = vector.shape_cast %get3A_457 : vector<16xf32> to vector<16xf32>
    %add3A_459 = arith.addf %get3A_455, %get3A_458 : vector<16xf32>
    %swap3A_460 = arith.constant 224 : index
    %swap3A_461 = tpu.vector_load %arg17[%swap3A_460] {strides = array<i32>} : memref<512xf32, #tpu.memory_space<vmem>>, vector<16xf32>,
    %swap3A_462 = vector.shape_cast %swap3A_461 : vector<16xf32> to vector<16xf32>
    %swap3A_463 = vector.shape_cast %add3A_459 : vector<16xf32> to vector<16xf32>
    tpu.vector_store %arg17[%swap3A_460], %swap3A_463 {strides = array<i32>} : memref<512xf32, #tpu.memory_space<vmem>>, vector<16xf32>,
    %get3A_464 = arith.constant 240 : index
    %get3A_465 = tpu.vector_load %arg14[%get3A_464] {strides = array<i32>} : memref<512xf32, #tpu.memory_space<vmem>>, vector<16xf32>,
    %get3A_466 = vector.shape_cast %get3A_465 : vector<16xf32> to vector<16xf32>
    %get3A_467 = arith.constant 240 : index
    %get3A_468 = tpu.vector_load %arg15[%get3A_467] {strides = array<i32>} : memref<512xf32, #tpu.memory_space<vmem>>, vector<16xf32>,
    %get3A_469 = vector.shape_cast %get3A_468 : vector<16xf32> to vector<16xf32>
    %add3A_470 = arith.addf %get3A_466, %get3A_469 : vector<16xf32>
    %swap3A_471 = arith.constant 240 : index
    %swap3A_472 = tpu.vector_load %arg17[%swap3A_471] {strides = array<i32>} : memref<512xf32, #tpu.memory_space<vmem>>, vector<16xf32>,
    %swap3A_473 = vector.shape_cast %swap3A_472 : vector<16xf32> to vector<16xf32>
    %swap3A_474 = vector.shape_cast %add3A_470 : vector<16xf32> to vector<16xf32>
    tpu.vector_store %arg17[%swap3A_471], %swap3A_474 {strides = array<i32>} : memref<512xf32, #tpu.memory_space<vmem>>, vector<16xf32>,
    %get3A_475 = arith.constant 256 : index
    %get3A_476 = tpu.vector_load %arg14[%get3A_475] {strides = array<i32>} : memref<512xf32, #tpu.memory_space<vmem>>, vector<16xf32>,
    %get3A_477 = vector.shape_cast %get3A_476 : vector<16xf32> to vector<16xf32>
    %get3A_478 = arith.constant 256 : index
    %get3A_479 = tpu.vector_load %arg15[%get3A_478] {strides = array<i32>} : memref<512xf32, #tpu.memory_space<vmem>>, vector<16xf32>,
    %get3A_480 = vector.shape_cast %get3A_479 : vector<16xf32> to vector<16xf32>
    %add3A_481 = arith.addf %get3A_477, %get3A_480 : vector<16xf32>
    %swap3A_482 = arith.constant 256 : index
    %swap3A_483 = tpu.vector_load %arg17[%swap3A_482] {strides = array<i32>} : memref<512xf32, #tpu.memory_space<vmem>>, vector<16xf32>,
    %swap3A_484 = vector.shape_cast %swap3A_483 : vector<16xf32> to vector<16xf32>
    %swap3A_485 = vector.shape_cast %add3A_481 : vector<16xf32> to vector<16xf32>
    tpu.vector_store %arg17[%swap3A_482], %swap3A_485 {strides = array<i32>} : memref<512xf32, #tpu.memory_space<vmem>>, vector<16xf32>,
    %get3A_486 = arith.constant 272 : index
    %get3A_487 = tpu.vector_load %arg14[%get3A_486] {strides = array<i32>} : memref<512xf32, #tpu.memory_space<vmem>>, vector<16xf32>,
    %get3A_488 = vector.shape_cast %get3A_487 : vector<16xf32> to vector<16xf32>
    %get3A_489 = arith.constant 272 : index
    %get3A_490 = tpu.vector_load %arg15[%get3A_489] {strides = array<i32>} : memref<512xf32, #tpu.memory_space<vmem>>, vector<16xf32>,
    %get3A_491 = vector.shape_cast %get3A_490 : vector<16xf32> to vector<16xf32>
    %add3A_492 = arith.addf %get3A_488, %get3A_491 : vector<16xf32>
    %swap3A_493 = arith.constant 272 : index
    %swap3A_494 = tpu.vector_load %arg17[%swap3A_493] {strides = array<i32>} : memref<512xf32, #tpu.memory_space<vmem>>, vector<16xf32>,
    %swap3A_495 = vector.shape_cast %swap3A_494 : vector<16xf32> to vector<16xf32>
    %swap3A_496 = vector.shape_cast %add3A_492 : vector<16xf32> to vector<16xf32>
    tpu.vector_store %arg17[%swap3A_493], %swap3A_496 {strides = array<i32>} : memref<512xf32, #tpu.memory_space<vmem>>, vector<16xf32>,
    %get3A_497 = arith.constant 288 : index
    %get3A_498 = tpu.vector_load %arg14[%get3A_497] {strides = array<i32>} : memref<512xf32, #tpu.memory_space<vmem>>, vector<16xf32>,
    %get3A_499 = vector.shape_cast %get3A_498 : vector<16xf32> to vector<16xf32>
    %get3A_500 = arith.constant 288 : index
    %get3A_501 = tpu.vector_load %arg15[%get3A_500] {strides = array<i32>} : memref<512xf32, #tpu.memory_space<vmem>>, vector<16xf32>,
    %get3A_502 = vector.shape_cast %get3A_501 : vector<16xf32> to vector<16xf32>
    %add3A_503 = arith.addf %get3A_499, %get3A_502 : vector<16xf32>
    %swap3A_504 = arith.constant 288 : index
    %swap3A_505 = tpu.vector_load %arg17[%swap3A_504] {strides = array<i32>} : memref<512xf32, #tpu.memory_space<vmem>>, vector<16xf32>,
    %swap3A_506 = vector.shape_cast %swap3A_505 : vector<16xf32> to vector<16xf32>
    %swap3A_507 = vector.shape_cast %add3A_503 : vector<16xf32> to vector<16xf32>
    tpu.vector_store %arg17[%swap3A_504], %swap3A_507 {strides = array<i32>} : memref<512xf32, #tpu.memory_space<vmem>>, vector<16xf32>,
    %get3A_508 = arith.constant 304 : index
    %get3A_509 = tpu.vector_load %arg14[%get3A_508] {strides = array<i32>} : memref<512xf32, #tpu.memory_space<vmem>>, vector<16xf32>,
    %get3A_510 = vector.shape_cast %get3A_509 : vector<16xf32> to vector<16xf32>
    %get3A_511 = arith.constant 304 : index
    %get3A_512 = tpu.vector_load %arg15[%get3A_511] {strides = array<i32>} : memref<512xf32, #tpu.memory_space<vmem>>, vector<16xf32>,
    %get3A_513 = vector.shape_cast %get3A_512 : vector<16xf32> to vector<16xf32>
    %add3A_514 = arith.addf %get3A_510, %get3A_513 : vector<16xf32>
    %swap3A_515 = arith.constant 304 : index
    %swap3A_516 = tpu.vector_load %arg17[%swap3A_515] {strides = array<i32>} : memref<512xf32, #tpu.memory_space<vmem>>, vector<16xf32>,
    %swap3A_517 = vector.shape_cast %swap3A_516 : vector<16xf32> to vector<16xf32>
    %swap3A_518 = vector.shape_cast %add3A_514 : vector<16xf32> to vector<16xf32>
    tpu.vector_store %arg17[%swap3A_515], %swap3A_518 {strides = array<i32>} : memref<512xf32, #tpu.memory_space<vmem>>, vector<16xf32>,
    %get3A_519 = arith.constant 320 : index
    %get3A_520 = tpu.vector_load %arg14[%get3A_519] {strides = array<i32>} : memref<512xf32, #tpu.memory_space<vmem>>, vector<16xf32>,
    %get3A_521 = vector.shape_cast %get3A_520 : vector<16xf32> to vector<16xf32>
    %get3A_522 = arith.constant 320 : index
    %get3A_523 = tpu.vector_load %arg15[%get3A_522] {strides = array<i32>} : memref<512xf32, #tpu.memory_space<vmem>>, vector<16xf32>,
    %get3A_524 = vector.shape_cast %get3A_523 : vector<16xf32> to vector<16xf32>
    %add3A_525 = arith.addf %get3A_521, %get3A_524 : vector<16xf32>
    %swap3A_526 = arith.constant 320 : index
    %swap3A_527 = tpu.vector_load %arg17[%swap3A_526] {strides = array<i32>} : memref<512xf32, #tpu.memory_space<vmem>>, vector<16xf32>,
    %swap3A_528 = vector.shape_cast %swap3A_527 : vector<16xf32> to vector<16xf32>
    %swap3A_529 = vector.shape_cast %add3A_525 : vector<16xf32> to vector<16xf32>
    tpu.vector_store %arg17[%swap3A_526], %swap3A_529 {strides = array<i32>} : memref<512xf32, #tpu.memory_space<vmem>>, vector<16xf32>,
    %get3A_530 = arith.constant 336 : index
    %get3A_531 = tpu.vector_load %arg14[%get3A_530] {strides = array<i32>} : memref<512xf32, #tpu.memory_space<vmem>>, vector<16xf32>,
    %get3A_532 = vector.shape_cast %get3A_531 : vector<16xf32> to vector<16xf32>
    %get3A_533 = arith.constant 336 : index
    %get3A_534 = tpu.vector_load %arg15[%get3A_533] {strides = array<i32>} : memref<512xf32, #tpu.memory_space<vmem>>, vector<16xf32>,
    %get3A_535 = vector.shape_cast %get3A_534 : vector<16xf32> to vector<16xf32>
    %add3A_536 = arith.addf %get3A_532, %get3A_535 : vector<16xf32>
    %swap3A_537 = arith.constant 336 : index
    %swap3A_538 = tpu.vector_load %arg17[%swap3A_537] {strides = array<i32>} : memref<512xf32, #tpu.memory_space<vmem>>, vector<16xf32>,
    %swap3A_539 = vector.shape_cast %swap3A_538 : vector<16xf32> to vector<16xf32>
    %swap3A_540 = vector.shape_cast %add3A_536 : vector<16xf32> to vector<16xf32>
    tpu.vector_store %arg17[%swap3A_537], %swap3A_540 {strides = array<i32>} : memref<512xf32, #tpu.memory_space<vmem>>, vector<16xf32>,
    %get3A_541 = arith.constant 352 : index
    %get3A_542 = tpu.vector_load %arg14[%get3A_541] {strides = array<i32>} : memref<512xf32, #tpu.memory_space<vmem>>, vector<16xf32>,
    %get3A_543 = vector.shape_cast %get3A_542 : vector<16xf32> to vector<16xf32>
    %get3A_544 = arith.constant 352 : index
    %get3A_545 = tpu.vector_load %arg15[%get3A_544] {strides = array<i32>} : memref<512xf32, #tpu.memory_space<vmem>>, vector<16xf32>,
    %get3A_546 = vector.shape_cast %get3A_545 : vector<16xf32> to vector<16xf32>
    %add3A_547 = arith.addf %get3A_543, %get3A_546 : vector<16xf32>
    %swap3A_548 = arith.constant 352 : index
    %swap3A_549 = tpu.vector_load %arg17[%swap3A_548] {strides = array<i32>} : memref<512xf32, #tpu.memory_space<vmem>>, vector<16xf32>,
    %swap3A_550 = vector.shape_cast %swap3A_549 : vector<16xf32> to vector<16xf32>
    %swap3A_551 = vector.shape_cast %add3A_547 : vector<16xf32> to vector<16xf32>
    tpu.vector_store %arg17[%swap3A_548], %swap3A_551 {strides = array<i32>} : memref<512xf32, #tpu.memory_space<vmem>>, vector<16xf32>,
    %get3A_552 = arith.constant 368 : index
    %get3A_553 = tpu.vector_load %arg14[%get3A_552] {strides = array<i32>} : memref<512xf32, #tpu.memory_space<vmem>>, vector<16xf32>,
    %get3A_554 = vector.shape_cast %get3A_553 : vector<16xf32> to vector<16xf32>
    %get3A_555 = arith.constant 368 : index
    %get3A_556 = tpu.vector_load %arg15[%get3A_555] {strides = array<i32>} : memref<512xf32, #tpu.memory_space<vmem>>, vector<16xf32>,
    %get3A_557 = vector.shape_cast %get3A_556 : vector<16xf32> to vector<16xf32>
    %add3A_558 = arith.addf %get3A_554, %get3A_557 : vector<16xf32>
    %swap3A_559 = arith.constant 368 : index
    %swap3A_560 = tpu.vector_load %arg17[%swap3A_559] {strides = array<i32>} : memref<512xf32, #tpu.memory_space<vmem>>, vector<16xf32>,
    %swap3A_561 = vector.shape_cast %swap3A_560 : vector<16xf32> to vector<16xf32>
    %swap3A_562 = vector.shape_cast %add3A_558 : vector<16xf32> to vector<16xf32>
    tpu.vector_store %arg17[%swap3A_559], %swap3A_562 {strides = array<i32>} : memref<512xf32, #tpu.memory_space<vmem>>, vector<16xf32>,
    %get3A_563 = arith.constant 384 : index
    %get3A_564 = tpu.vector_load %arg14[%get3A_563] {strides = array<i32>} : memref<512xf32, #tpu.memory_space<vmem>>, vector<16xf32>,
    %get3A_565 = vector.shape_cast %get3A_564 : vector<16xf32> to vector<16xf32>
    %get3A_566 = arith.constant 384 : index
    %get3A_567 = tpu.vector_load %arg15[%get3A_566] {strides = array<i32>} : memref<512xf32, #tpu.memory_space<vmem>>, vector<16xf32>,
    %get3A_568 = vector.shape_cast %get3A_567 : vector<16xf32> to vector<16xf32>
    %add3A_569 = arith.addf %get3A_565, %get3A_568 : vector<16xf32>
    %swap3A_570 = arith.constant 384 : index
    %swap3A_571 = tpu.vector_load %arg17[%swap3A_570] {strides = array<i32>} : memref<512xf32, #tpu.memory_space<vmem>>, vector<16xf32>,
    %swap3A_572 = vector.shape_cast %swap3A_571 : vector<16xf32> to vector<16xf32>
    %swap3A_573 = vector.shape_cast %add3A_569 : vector<16xf32> to vector<16xf32>
    tpu.vector_store %arg17[%swap3A_570], %swap3A_573 {strides = array<i32>} : memref<512xf32, #tpu.memory_space<vmem>>, vector<16xf32>,
    %get3A_574 = arith.constant 400 : index
    %get3A_575 = tpu.vector_load %arg14[%get3A_574] {strides = array<i32>} : memref<512xf32, #tpu.memory_space<vmem>>, vector<16xf32>,
    %get3A_576 = vector.shape_cast %get3A_575 : vector<16xf32> to vector<16xf32>
    %get3A_577 = arith.constant 400 : index
    %get3A_578 = tpu.vector_load %arg15[%get3A_577] {strides = array<i32>} : memref<512xf32, #tpu.memory_space<vmem>>, vector<16xf32>,
    %get3A_579 = vector.shape_cast %get3A_578 : vector<16xf32> to vector<16xf32>
    %add3A_580 = arith.addf %get3A_576, %get3A_579 : vector<16xf32>
    %swap3A_581 = arith.constant 400 : index
    %swap3A_582 = tpu.vector_load %arg17[%swap3A_581] {strides = array<i32>} : memref<512xf32, #tpu.memory_space<vmem>>, vector<16xf32>,
    %swap3A_583 = vector.shape_cast %swap3A_582 : vector<16xf32> to vector<16xf32>
    %swap3A_584 = vector.shape_cast %add3A_580 : vector<16xf32> to vector<16xf32>
    tpu.vector_store %arg17[%swap3A_581], %swap3A_584 {strides = array<i32>} : memref<512xf32, #tpu.memory_space<vmem>>, vector<16xf32>,
    %get3A_585 = arith.constant 416 : index
    %get3A_586 = tpu.vector_load %arg14[%get3A_585] {strides = array<i32>} : memref<512xf32, #tpu.memory_space<vmem>>, vector<16xf32>,
    %get3A_587 = vector.shape_cast %get3A_586 : vector<16xf32> to vector<16xf32>
    %get3A_588 = arith.constant 416 : index
    %get3A_589 = tpu.vector_load %arg15[%get3A_588] {strides = array<i32>} : memref<512xf32, #tpu.memory_space<vmem>>, vector<16xf32>,
    %get3A_590 = vector.shape_cast %get3A_589 : vector<16xf32> to vector<16xf32>
    %add3A_591 = arith.addf %get3A_587, %get3A_590 : vector<16xf32>
    %swap3A_592 = arith.constant 416 : index
    %swap3A_593 = tpu.vector_load %arg17[%swap3A_592] {strides = array<i32>} : memref<512xf32, #tpu.memory_space<vmem>>, vector<16xf32>,
    %swap3A_594 = vector.shape_cast %swap3A_593 : vector<16xf32> to vector<16xf32>
    %swap3A_595 = vector.shape_cast %add3A_591 : vector<16xf32> to vector<16xf32>
    tpu.vector_store %arg17[%swap3A_592], %swap3A_595 {strides = array<i32>} : memref<512xf32, #tpu.memory_space<vmem>>, vector<16xf32>,
    %get3A_596 = arith.constant 432 : index
    %get3A_597 = tpu.vector_load %arg14[%get3A_596] {strides = array<i32>} : memref<512xf32, #tpu.memory_space<vmem>>, vector<16xf32>,
    %get3A_598 = vector.shape_cast %get3A_597 : vector<16xf32> to vector<16xf32>
    %get3A_599 = arith.constant 432 : index
    %get3A_600 = tpu.vector_load %arg15[%get3A_599] {strides = array<i32>} : memref<512xf32, #tpu.memory_space<vmem>>, vector<16xf32>,
    %get3A_601 = vector.shape_cast %get3A_600 : vector<16xf32> to vector<16xf32>
    %add3A_602 = arith.addf %get3A_598, %get3A_601 : vector<16xf32>
    %swap3A_603 = arith.constant 432 : index
    %swap3A_604 = tpu.vector_load %arg17[%swap3A_603] {strides = array<i32>} : memref<512xf32, #tpu.memory_space<vmem>>, vector<16xf32>,
    %swap3A_605 = vector.shape_cast %swap3A_604 : vector<16xf32> to vector<16xf32>
    %swap3A_606 = vector.shape_cast %add3A_602 : vector<16xf32> to vector<16xf32>
    tpu.vector_store %arg17[%swap3A_603], %swap3A_606 {strides = array<i32>} : memref<512xf32, #tpu.memory_space<vmem>>, vector<16xf32>,
    %get3A_607 = arith.constant 448 : index
    %get3A_608 = tpu.vector_load %arg14[%get3A_607] {strides = array<i32>} : memref<512xf32, #tpu.memory_space<vmem>>, vector<16xf32>,
    %get3A_609 = vector.shape_cast %get3A_608 : vector<16xf32> to vector<16xf32>
    %get3A_610 = arith.constant 448 : index
    %get3A_611 = tpu.vector_load %arg15[%get3A_610] {strides = array<i32>} : memref<512xf32, #tpu.memory_space<vmem>>, vector<16xf32>,
    %get3A_612 = vector.shape_cast %get3A_611 : vector<16xf32> to vector<16xf32>
    %add3A_613 = arith.addf %get3A_609, %get3A_612 : vector<16xf32>
    %swap3A_614 = arith.constant 448 : index
    %swap3A_615 = tpu.vector_load %arg17[%swap3A_614] {strides = array<i32>} : memref<512xf32, #tpu.memory_space<vmem>>, vector<16xf32>,
    %swap3A_616 = vector.shape_cast %swap3A_615 : vector<16xf32> to vector<16xf32>
    %swap3A_617 = vector.shape_cast %add3A_613 : vector<16xf32> to vector<16xf32>
    tpu.vector_store %arg17[%swap3A_614], %swap3A_617 {strides = array<i32>} : memref<512xf32, #tpu.memory_space<vmem>>, vector<16xf32>,
    %get3A_618 = arith.constant 464 : index
    %get3A_619 = tpu.vector_load %arg14[%get3A_618] {strides = array<i32>} : memref<512xf32, #tpu.memory_space<vmem>>, vector<16xf32>,
    %get3A_620 = vector.shape_cast %get3A_619 : vector<16xf32> to vector<16xf32>
    %get3A_621 = arith.constant 464 : index
    %get3A_622 = tpu.vector_load %arg15[%get3A_621] {strides = array<i32>} : memref<512xf32, #tpu.memory_space<vmem>>, vector<16xf32>,
    %get3A_623 = vector.shape_cast %get3A_622 : vector<16xf32> to vector<16xf32>
    %add3A_624 = arith.addf %get3A_620, %get3A_623 : vector<16xf32>
    %swap3A_625 = arith.constant 464 : index
    %swap3A_626 = tpu.vector_load %arg17[%swap3A_625] {strides = array<i32>} : memref<512xf32, #tpu.memory_space<vmem>>, vector<16xf32>,
    %swap3A_627 = vector.shape_cast %swap3A_626 : vector<16xf32> to vector<16xf32>
    %swap3A_628 = vector.shape_cast %add3A_624 : vector<16xf32> to vector<16xf32>
    tpu.vector_store %arg17[%swap3A_625], %swap3A_628 {strides = array<i32>} : memref<512xf32, #tpu.memory_space<vmem>>, vector<16xf32>,
    %get3A_629 = arith.constant 480 : index
    %get3A_630 = tpu.vector_load %arg14[%get3A_629] {strides = array<i32>} : memref<512xf32, #tpu.memory_space<vmem>>, vector<16xf32>,
    %get3A_631 = vector.shape_cast %get3A_630 : vector<16xf32> to vector<16xf32>
    %get3A_632 = arith.constant 480 : index
    %get3A_633 = tpu.vector_load %arg15[%get3A_632] {strides = array<i32>} : memref<512xf32, #tpu.memory_space<vmem>>, vector<16xf32>,
    %get3A_634 = vector.shape_cast %get3A_633 : vector<16xf32> to vector<16xf32>
    %add3A_635 = arith.addf %get3A_631, %get3A_634 : vector<16xf32>
    %swap3A_636 = arith.constant 480 : index
    %swap3A_637 = tpu.vector_load %arg17[%swap3A_636] {strides = array<i32>} : memref<512xf32, #tpu.memory_space<vmem>>, vector<16xf32>,
    %swap3A_638 = vector.shape_cast %swap3A_637 : vector<16xf32> to vector<16xf32>
    %swap3A_639 = vector.shape_cast %add3A_635 : vector<16xf32> to vector<16xf32>
    tpu.vector_store %arg17[%swap3A_636], %swap3A_639 {strides = array<i32>} : memref<512xf32, #tpu.memory_space<vmem>>, vector<16xf32>,
    %get3A_640 = arith.constant 496 : index
    %get3A_641 = tpu.vector_load %arg14[%get3A_640] {strides = array<i32>} : memref<512xf32, #tpu.memory_space<vmem>>, vector<16xf32>,
    %get3A_642 = vector.shape_cast %get3A_641 : vector<16xf32> to vector<16xf32>
    %get3A_643 = arith.constant 496 : index
    %get3A_644 = tpu.vector_load %arg15[%get3A_643] {strides = array<i32>} : memref<512xf32, #tpu.memory_space<vmem>>, vector<16xf32>,
    %get3A_645 = vector.shape_cast %get3A_644 : vector<16xf32> to vector<16xf32>
    %add3A_646 = arith.addf %get3A_642, %get3A_645 : vector<16xf32>
    %swap3A_647 = arith.constant 496 : index
    %swap3A_648 = tpu.vector_load %arg17[%swap3A_647] {strides = array<i32>} : memref<512xf32, #tpu.memory_space<vmem>>, vector<16xf32>,
    %swap3A_649 = vector.shape_cast %swap3A_648 : vector<16xf32> to vector<16xf32>
    %swap3A_650 = vector.shape_cast %add3A_646 : vector<16xf32> to vector<16xf32>
    tpu.vector_store %arg17[%swap3A_647], %swap3A_650 {strides = array<i32>} : memref<512xf32, #tpu.memory_space<vmem>>, vector<16xf32>,
    "tpu.region"() ({
      %run_scoped3A = tpu.sem_alloc : memref<!tpu.dma_semaphore, #tpu.memory_space<semaphore_mem>>
      %dma_start3A_651 = tpu.memref_slice %arg9[%mul3A_2] : memref<16384xf32, #tpu.memory_space<hbm>> -> memref<512xf32, #tpu.memory_space<hbm>>
      %dma_start3A_652 = tpu.memref_slice %arg9[%mul3A_2] : memref<16384xf32, #tpu.memory_space<hbm>> -> memref<512xf32, #tpu.memory_space<hbm>>
      tpu.enqueue_dma source(%arg17 : memref<512xf32, #tpu.memory_space<vmem>>) target(%dma_start3A_652 : memref<512xf32, #tpu.memory_space<hbm>>) target_semaphore(%run_scoped3A : memref<!tpu.dma_semaphore, #tpu.memory_space<semaphore_mem>>)
      %dma_wait3A_653 = tpu.memref_slice %arg9[%mul3A_2] : memref<16384xf32, #tpu.memory_space<hbm>> -> memref<512xf32, #tpu.memory_space<hbm>>
      %dma_wait3A_654 = tpu.memref_slice %arg9[%mul3A_2] : memref<16384xf32, #tpu.memory_space<hbm>> -> memref<512xf32, #tpu.memory_space<hbm>>
      tpu.wait_dma2 semaphore(%run_scoped3A : memref<!tpu.dma_semaphore, #tpu.memory_space<semaphore_mem>>) src(%arg17 : memref<512xf32, #tpu.memory_space<vmem>>) dst(%dma_wait3A_654 : memref<512xf32, #tpu.memory_space<hbm>>)
      tpu.yield
    }) : () -> ()
    return
  }
}

module attributes {stable_mosaic.version = 14 : i64} {
  func.func @_tc_body(%arg0: memref<128x128xf32, #tpu.memory_space<vmem>>, %arg1: memref<32x16xf32, #tpu.memory_space<vmem>>, %arg2: memref<128x128xf32, #tpu.memory_space<vmem>>) attributes {dimension_semantics = [], scalar_prefetch = 0 : i64, scratch_operands = 0 : i64, tpu.core_type = #tpu.core_type<tc>} {
    %get3A = arith.constant 0 : index
    %get3A_0 = arith.constant 0 : index
    %get3A_1 = vector.load %arg1[%get3A, %get3A_0] : memref<32x16xf32, #tpu.memory_space<vmem>>, vector<32x16xf32>
    %reduce_sum3A = vector.shape_cast %get3A_1 : vector<32x16xf32> to vector<1x32x16xf32>
    %reduce_sum3A_2 = arith.constant dense<0.000000e+00> : vector<1xf32>
    %reduce_sum3A_3 = vector.multi_reduction <add>, %reduce_sum3A, %reduce_sum3A_2 [1, 2] : vector<1x32x16xf32> to vector<1xf32>
    %reduce_sum3A_4 = vector.shape_cast %reduce_sum3A_3 : vector<1xf32> to vector<1x1x1xf32>
    %reduce_sum3A_5 = vector.extract %reduce_sum3A_4[0, 0, 0] : f32 from vector<1x1x1xf32>
    %get3A_6 = arith.constant 0 : index
    %get3A_7 = arith.constant 0 : index
    %get3A_8 = vector.load %arg0[%get3A_6, %get3A_7] : memref<128x128xf32, #tpu.memory_space<vmem>>, vector<128x128xf32>
    %add3A = vector.broadcast %reduce_sum3A_5 : f32 to vector<128x128xf32>
    %add3A_9 = arith.addf %get3A_8, %add3A : vector<128x128xf32>
    %swap3A = arith.constant 0 : index
    %swap3A_10 = arith.constant 0 : index
    %swap3A_11 = vector.load %arg2[%swap3A, %swap3A_10] : memref<128x128xf32, #tpu.memory_space<vmem>>, vector<128x128xf32>
    tpu.vector_store %arg2[%swap3A, %swap3A_10], %add3A_9 {strides = array<i32>} : memref<128x128xf32, #tpu.memory_space<vmem>>, vector<128x128xf32>,
    return
  }
}

</mosaic_0001>

<sc_bundles>
// kernel: kernel.4.cloned.1.call-start
scs
__scs_entry_jumppad:
0x0: {  	(pc) =	sbr.rel $0x88, $3  }
0x1: {  	(tag) =	ssettag $0x0;
	lr =	simm.s32 $0x1  }
0x2: {  	[smem:$0x3F9B] =	sst lr;
	_ =	strace $0xD0000000  }
0x3: {  	_ = 	snop  }
0x4: {  	_ = 	snop  }
0x5: {  	_ = 	snop  }
0x6: {  	_ = 	snop  }
0x7: {  	_ = 	snop  }
__scs_overlays_trampoline_lowered:
0x8: {  	[smem:$0x3FAA] =	sst s0  }
0x9: {  	[smem:$0x3FAB] =	sst s1  }
0xa: {  	[smem:$0x3FAC] =	sst s2  }
0xb: {  	[smem:$0x3FAD] =	sst s3  }
0xc: {  	[smem:$0x3FAE] =	sst s4  }
0xd: {  	[smem:$0x3FAF] =	sst s5  }
0xe: {  	[smem:$0x3FB0] =	sst s6  }
0xf: {  	[smem:$0x3FB1] =	sst s7  }
0x10: {  	[smem:$0x3FB2] =	sst s8  }
0x11: {  	[smem:$0x3FB3] =	sst s9;
	s0 =	simm.s32 @!p0 $0x0  }
0x12: {  	s1 =	sld [smem:$0x3F99];
	s0 =	simm.s32 @p0 $0x1  }
0x13: {  	[smem:$0x3FB4] =	sst s0;
	s0 =	simm.s32 @!p1 $0x0  }
0x14: {  	s2 =	sld [smem:$0x3F98];
	s0 =	simm.s32 @p1 $0x1  }
0x15: {  	[smem:$0x3FB5] =	sst s0;
	s0 =	simm.s32 @!p2 $0x0  }
0x16: {  	s3 =	sld [smem:$0x3FDB];
	s0 =	simm.s32 @p2 $0x1  }
0x17: {  	s4 =	simm.s32 $0x1BF5;
	[smem:$0x3FB7] =	sst s0  }
0x18: {  	s0 =	sld [smem:$0x3F9A];
	_ =	swait.ge [sflag:s4], $0x0  }
0x19: {  	s7 =	sld [smem:$0x3F9B]  }
0x1a: {  	s8 =	sadd.s32 $0xFFFFE003, lr  }
0x1b: {  	s9 =	sadd.s32 $0xFFFFFEF7, lr;
	s5 =	simm.s32 $0xFFFFFFFF;
	p2 =	slt.u32 s8, $0xFFFFF086  }
0x1c: {  	p1 =	slt.u32 s9, $0xF7A;
	s5 =	simm.s32 @!p2 $0x0  }
0x1d: {  	s5 =	simm.s32 @p1 $0x1;
	p0 =	seq.s32 s7, s2  }
0x1e: {  	s7 =	smul.u32 @!p0 $0xF7A, s2;
	p2 =	seq.s32 @!p0 s5, $0x0  }
0x1f: {  	s9 =	smul.u32 $0xF7A, s1;
	s8 =	simm.s32 @!p0 $0x1BF5;
	p2 =	por !p2, p0  }
0x20: {  	[sflag:s8] =	ssyncset.s32 @!p0 $0xFFFFF086;
	s6 =	sadd.s32 @!p0 s3, s7;
	s7 =	simm.s32 @!p0 $0x108  }
0x21: {  	s3 =	sadd.s32 s3, s9;
	s6 =	sadd.s32 @!p0 $0x88, s6;
	s7 =	simm.s32 @p2 $0x1082  }
0x22: {  	[simem:s7], [sflag:s8] =	dma.local @!p0 [hbm:s6], $0xF7A  }
0x23: {  	s9 =	sor.u32 $0xD0000000, s2;
	s6 =	simm.s32 $0x108;
	_ =	swait.ge @!p0 [sflag:s8], $0x0  }
0x24: {  	s3 =	sadd.s32 $0x88, s3;
	s6 =	simm.s32 @!p1 $0x1082;
	[sflag:s4] =	ssyncset.s32 $0xFFFFF086  }
0x25: {  	[simem:s6], [sflag:s4] =	dma.local [hbm:s3], $0xF7A  }
0x26: {  	[smem:$0x3F9B] =	sst s1;
	(tag) =	ssettag s2;
	_ =	strace s9  }
0x27: {  	s1 =	sld [smem:$0x3FAB]  }
0x28: {  	s2 =	sld [smem:$0x3FAC]  }
0x29: {  	s4 =	sld [smem:$0x3FAE]  }
0x2a: {  	p0 =	seq.s32 s5, $0x0;
	s5 =	sld [smem:$0x3FAF]  }
0x2b: {  	s6 =	sld [smem:$0x3FB0]  }
0x2c: {  	s7 =	sld [smem:$0x3FB1]  }
0x2d: {  	s3 =	simm.s32 $0x108;
	s8 =	sld [smem:$0x3FB2]  }
0x2e: {  	s3 =	simm.s32 @!p0 $0x1082;
	s9 =	sld [smem:$0x3FB3]  }
0x2f: {  	lr =	sadd.s32 s0, s3;
	s0 =	sld [smem:$0x3FAA]  }
0x30: {  	s3 =	sld [smem:$0x3FAD]  }
0x31: {  	[smem:$0x3FB6] =	sst s10  }
0x32: {  	s10 =	sld [smem:$0x3FB4];
	_ =	sdelay $0x3  }
0x33: {  	p0 =	seq.s32 s10, $0x1;
	s10 =	sld [smem:$0x3FB6];
	_ =	sdelay $0x3  }
0x34: {  	[smem:$0x3FB6] =	sst s10  }
0x35: {  	s10 =	sld [smem:$0x3FB5];
	_ =	sdelay $0x3  }
0x36: {  	p1 =	seq.s32 s10, $0x1;
	s10 =	sld [smem:$0x3FB6];
	_ =	sdelay $0x3  }
0x37: {  	[smem:$0x3FB6] =	sst s10  }
0x38: {  	s10 =	sld [smem:$0x3FB7]  }
0x39: {  	_ = 	snop;
	(pc) =	sbr.ind lr, $3  }
0x3a: {  	_ = 	snop  }
0x3b: {  	_ = 	snop  }
0x3c: {  	p2 =	seq.s32 s10, $0x1;
	s10 =	sld [smem:$0x3FB6]  }
0x3d: {  	_ =	shalt  }
0x3e: {  	_ =	shalt  }
0x3f: {  	_ =	shalt  }
0x40: {  	_ =	shalt  }
0x41: {  	_ =	shalt  }
0x42: {  	_ =	shalt  }
0x43: {  	_ =	shalt  }
0x44: {  	_ =	shalt  }
0x45: {  	_ =	shalt  }
0x46: {  	_ =	shalt  }
0x47: {  	_ =	shalt  }
0x48: {  	_ =	shalt  }
0x49: {  	_ =	shalt  }
0x4a: {  	_ =	shalt  }
0x4b: {  	_ =	shalt  }
0x4c: {  	_ =	shalt  }
0x4d: {  	_ =	shalt  }
0x4e: {  	_ =	shalt  }
0x4f: {  	_ =	shalt  }
0x50: {  	_ =	shalt  }
0x51: {  	_ =	shalt  }
0x52: {  	_ =	shalt  }
0x53: {  	_ =	shalt  }
0x54: {  	_ =	shalt  }
0x55: {  	_ =	shalt  }
0x56: {  	_ =	shalt  }
0x57: {  	_ =	shalt  }
0x58: {  	_ =	shalt  }
0x59: {  	_ =	shalt  }
0x5a: {  	_ =	shalt  }
0x5b: {  	_ =	shalt  }
0x5c: {  	_ =	shalt  }
0x5d: {  	_ =	shalt  }
0x5e: {  	_ =	shalt  }
0x5f: {  	_ =	shalt  }
0x60: {  	_ =	shalt  }
0x61: {  	_ =	shalt  }
0x62: {  	_ =	shalt  }
0x63: {  	_ =	shalt  }
0x64: {  	_ =	shalt  }
0x65: {  	_ =	shalt  }
0x66: {  	_ =	shalt  }
0x67: {  	_ =	shalt  }
0x68: {  	_ =	shalt  }
0x69: {  	_ =	shalt  }
0x6a: {  	_ =	shalt  }
0x6b: {  	_ =	shalt  }
0x6c: {  	_ =	shalt  }
0x6d: {  	_ =	shalt  }
0x6e: {  	_ =	shalt  }
0x6f: {  	_ =	shalt  }
0x70: {  	_ =	shalt  }
0x71: {  	_ =	shalt  }
0x72: {  	_ =	shalt  }
0x73: {  	_ =	shalt  }
0x74: {  	_ =	shalt  }
0x75: {  	_ =	shalt  }
0x76: {  	_ =	shalt  }
0x77: {  	_ =	shalt  }
0x78: {  	_ =	shalt  }
0x79: {  	_ =	shalt  }
0x7a: {  	_ =	shalt  }
0x7b: {  	_ =	shalt  }
0x7c: {  	_ =	shalt  }
0x7d: {  	_ =	shalt  }
0x7e: {  	_ =	shalt  }
0x7f: {  	_ =	shalt  }
0x80: {  	_ =	shalt  }
0x81: {  	_ =	shalt  }
0x82: {  	_ =	shalt  }
0x83: {  	_ =	shalt  }
0x84: {  	_ =	shalt  }
0x85: {  	_ =	shalt  }
0x86: {  	_ =	shalt  }
0x87: {  	_ =	shalt  }
.Lfunc_end0:
.L_simem_size_0:
called_computation_lowered:
.L_overlay_start_0:
0x88: {  	s2 =	sld [smem:$0x3FD9]  }
0x89: {  	s3 =	sld [smem:$0x3FFE];
	_ =	sdelay $0x1  }
0x8a: {  	s1 =	srdreg.scid  }
0x8b: {  	s0 =	sand.u32 $0x1, s1  }
0x8c: {  	s17 =	sshll.u32 s0, $0xA;
	s2 =	sadd.s32 s3, s2  }
0x8d: {  	s2 =	sadd.s32 s2, s17  }
0x8e: {  	[smem:$0x3FC2] =	sst s2  }
0x8f: {  	_ = 	snop  }
0x90: {  	s2 =	sld [smem:$0x3FC9]  }
0x91: {  	s18 =	sld [smem:$0x3FC8]  }
0x92: {  	s4 =	sld [smem:$0x3FD0];
	(tm) =	ssettm $0x1  }
0x93: {  	s5 =	sld [smem:$0x3FFB];
	_ =	sdelay $0x3  }
0x94: {  	_ =	strace s5  }
0x95: {  	s5 =	sld [smem:$0x3FFC];
	_ =	sdelay $0x3  }
0x96: {  	_ =	strace s5  }
0x97: {  	s5 =	sld [smem:$0x3FFD];
	_ =	sdelay $0x3  }
0x98: {  	_ =	strace s5  }
0x99: {  	_ =	strace $0x8FFFFFFF  }
0x9a: {  	s19 =	sld [smem:$0x3FDB];
	_ =	sdelay $0x1  }
0x9b: {  	s6 =	simm.s32 $_scs_section_size  }
0x9c: {  	s7 =	simm.s32 $_size__tile_overlayer_lowered;
	s8 =	simm.s32 $_tile_overlayer_lowered  }
0x9d: {  	s22 =	simm.s32 $0x1BFF;
	s21 =	sshll.u32 s8, $0x1;
	s5 =	sadd.s32 s6, s19  }
0x9e: {  	s9 =	simm.s32 $0x0;
	s20 =	sshll.u32 s7, $0x1;
	s7 =	sadd.s32 s21, s5  }
0x9f: {  	[timem:s9], [sflag:s22] =	dma.local [hbm:s7], s20  }
0xa0: {  	_ =	swait.ge [sflag:s22], s20  }
0xa1: {  	s6 =	ssub.s32 $0x0, s20;
	[sflag:s22] =	ssyncset.done $0x0  }
0xa2: {  	[sflag:s22] =	ssyncadd.s32 s6;
	_ =	sdelay $0x1  }
0xa3: {  	s23 =	simm.s32 $0x1B8B  }
0xa4: {  	_ =	swait.ge [sflag:s23], $0x1  }
0xa5: {  	[sflag:s23] =	ssyncset.done $0x0  }
0xa6: {  	s25 =	simm.s32 $0x1B8E;
	s24 =	sld [smem:$0x3FFE];
	[sflag:s23] =	ssyncadd.s32 $0xFFFFFFFF  }
0xa7: {  	s26 =	simm.s32 $execute0_lowered;
	[smem:$0x3FD2] =	sst s25  }
0xa8: {  	s7 =	sshll.u32 s26, $0x1;
	_ =	strace $0x80000046;
	[dreg:$0x1] =	wrdreg $0xFFFFFFFF  }
0xa9: {  	s28 =	simm.s32 $_size_execute0_lowered;
	s5 =	sadd.s32 s5, s7;
	[dreg:$0x0] =	wrdreg $0x0  }
0xaa: {  	s7 =	sshll.u32 s28, $0x1;
	[dreg:$0x2] =	wrdreg s5  }
0xab: {  	[dreg:$0x3] =	wrdreg s7  }
0xac: {  	[dreg:$0x4] =	wrdreg $0xC0  }
0xad: {  	_ =	task [dreg:s9], $0x5FFFF  }
0xae: {  	[dreg:$0x1] =	wrdreg $0xFFFFFFFF  }
0xaf: {  	[dreg:$0x0] =	wrdreg $0x60  }
0xb0: {  	[dreg:$0x2] =	wrdreg s2  }
0xb1: {  	[dreg:$0x3] =	wrdreg s18  }
0xb2: {  	[dreg:$0x4] =	wrdreg s24  }
0xb3: {  	[dreg:$0x5] =	wrdreg s4  }
0xb4: {  	[dreg:$0x6] =	wrdreg $0x9  }
0xb5: {  	_ =	task.clear_ibuf [dreg:s9], $0x7FFFF;
	_ =	strace $0x90000046  }
0xb6: {  	s29 =	simm.s32 $0x9;
	_ =	strace $0x80000048  }
0xb7: {  	_ =	swait.ge [sflag:s29], $0x1  }
0xb8: {  	[sflag:s29] =	ssyncadd.s32 $0xFFFFFFFF  }
0xb9: {  	_ =	strace $0x90000048  }
0xba: {  	_ =	sfence  }
0xbb: {  	s30 =	sld [smem:$0x0];
	_ =	sdelay $0x2  }
0xbc: {  	s31 =	sshll.u32 s1, $0xD;
	s1 =	sshrl.u32 s1, $0x2  }
0xbd: {  	s3 =	sand.u32 $0x4000, s31;
	s1 =	sadd.s32 s1, s30  }
0xbe: {  	s0 =	sor.u32 s3, s0;
	s1 =	sshll.u32 s1, $0x11  }
0xbf: {  	s0 =	sor.u32 s1, s0  }
0xc0: {  	s0 =	sadd.s32 $0x8F2B, s0  }
0xc1: {  	[sflag:s0] =	ssyncadd.remote.s32 $0x1  }
0xc2: {  	_ =	sfence.sel $0xFFFF  }
0xc3: {  	[dreg:$0x0] =	wrdreg $0xFFFFFFFF;
	(pc) =	sbr.abs _section_cstart, $3  }
0xc4: {  	[dreg:$0x1] =	wrdreg $0xFFFFFFFF  }
0xc5: {  	_ =	task.clear_ibuf [dreg:s9], $0x2FFFF;
	_ =	strace $0x9FFFFFFF  }
0xc6: {  	(tm) =	ssettm $0x7FFFFFFF  }
0xc7: {  	_ =	shalt  }
tec
execute0_lowered:
.L_overlay_start_1:
0x0: {  	(tag) =	ssettag $0x1  }
0x1: {  	s0 =	rddreg [dreg:$0x0]  }
0x2: {  	s2 =	rddreg [dreg:$0x1]  }
0x3: {  	s7 =	rddreg [dreg:$0x2]  }
0x4: {  	s10 =	rddreg [dreg:$0x3];
	s1 =	simm.s32 $0x0;
	s5 =	srdreg.scid  }
0x5: {  	s8 =	stileid.u32;
	s14 =	simm.s32 $0x80;
	s20 =	simm.s32 $0x280  }
0x6: {  	s24 =	simm.s32 $0x100;
	s26 =	simm.s32 $0x300;
	s31 =	simm.s32 $0x180  }
0x7: {  	s15 =	simm.s32 $0x7400;
	s16 =	simm.s32 $0x8580;
	s17 =	simm.s32 $0x8780  }
0x8: {  	s18 =	simm.s32 $0x1;
	s19 =	simm.s32 $0x2;
	s21 =	simm.s32 $0x3  }
0x9: {  	s22 =	simm.s32 $0x4;
	s23 =	simm.s32 $0x8800;
	s25 =	simm.s32 $0x8810  }
0xa: {  	s28 =	simm.s32 $0x0;
	[smem:$0x7FF] =	sst s1;
	s3 =	sadd.s32 $0x1313200, s7  }
0xb: {  	s4 =	sadd.s32 $0xF42800, s7;
	s6 =	sand.u32 $0x1, s5;
	s8 =	sshll.u32 s8, $0x1  }
0xc: {  	s5 =	sadd.s32 $0x1EE00, s7;
	_ =	strace $0x80000047;
	s8 =	sor.u32 s6, s8  }
0xd: {  	s9 =	ssub.s32 $0x2, s6;
	s6 =	sadd.s32 $0x400, s7;
	s11 =	sshll.u32 s8, $0x1  }
0xe: {  	s12 =	sshrl.u32 s9, $0x1;
	s13 =	sshll.u32 s8, $0x6;
	s11 =	sadd.s32 s11, s7  }
0xf: {  	s12 =	ssub.s32 s9, s12;
	s7 =	sadd.s32 s0, s13;
	s8 =	sadd.s32 s2, s13  }
0x10: {  	s10 =	sadd.s32 s10, s13;
	s13 =	simm.s32 $0x200;
	s2 =	simm.s32 $0x380  }
0x11: {  	s9 =	sadd.s32 $0x3D800, s11;
	s11 =	smax.u32 s12, $0x1;
	s12 =	simm.s32 $0x5  }
.LBB2_1:
0x12: {  	[tilespmem:s1], [sflag:$0x5] =	stream.linear.gather [hbm4b:s7+s1], $0x200, $0x38;
	[tilespmem:$0x8A10] =	vst v63  }
0x13: {  	_ =	swait.ge [sflag:s12], $0x200  }
0x14: {  	[sflag:s12] =	ssyncset.done $0x0  }
0x15: {  	[sflag:s12] =	ssyncadd.s32 $0xFFFFFE00  }
0x16: {  	[tilespmem:s13], [sflag:$0x5] =	stream.linear.gather [hbm4b:s8+s1], $0x200, $0x38;
	[tilespmem:$0x8A10] =	vst v63  }
0x17: {  	_ =	swait.ge [sflag:s12], $0x200  }
0x18: {  	[sflag:s12] =	ssyncset.done $0x0  }
0x19: {  	s0 =	simm.s32 $0x400;
	[sflag:s12] =	ssyncadd.s32 $0xFFFFFE00  }
0x1a: {  	[tilespmem:s0], [sflag:$0x1] =	stream.indirect.gather [hbm4b:s3+s14], $0x20, s1, s14, $0xb8;
	[tilespmem:$0x8A10] =	vst v63  }
0x1b: {  	s0 =	simm.s32 $0x4400  }
0x1c: {  	[tilespmem:s0], [sflag:$0x2] =	stream.indirect.gather [hbm4b:s4+s14], $0x20, s13, s14, $0xb8;
	[tilespmem:$0x8A10] =	vst v63  }
0x1d: {  	s0 =	simm.s32 $0x8400  }
0x1e: {  	[tilespmem:s0], [sflag:$0x3] =	stream.indirect.gather [hbm4b:s5+s14], $0x1, s1, s14, $0xb8;
	[tilespmem:$0x8A10] =	vst v63  }
0x1f: {  	s0 =	simm.s32 $0x8600  }
0x20: {  	[tilespmem:s0], [sflag:$0x4] =	stream.indirect.gather [hbm4b:s6+s14], $0x1, s13, s14, $0xb8;
	[tilespmem:$0x8A10] =	vst v63  }
0x21: {  	s0 =	simm.s32 $0x1400  }
0x22: {  	[tilespmem:s0], [sflag:$0x1] =	stream.indirect.gather [hbm4b:s3+s14], $0x20, s14, s14, $0xb8;
	[tilespmem:$0x8A10] =	vst v63  }
0x23: {  	s0 =	simm.s32 $0x5400  }
0x24: {  	[tilespmem:s0], [sflag:$0x2] =	stream.indirect.gather [hbm4b:s4+s14], $0x20, s20, s14, $0xb8;
	[tilespmem:$0x8A10] =	vst v63  }
0x25: {  	s0 =	simm.s32 $0x8480  }
0x26: {  	[tilespmem:s0], [sflag:$0x3] =	stream.indirect.gather [hbm4b:s5+s14], $0x1, s14, s14, $0xb8;
	[tilespmem:$0x8A10] =	vst v63  }
0x27: {  	s0 =	simm.s32 $0x8680  }
0x28: {  	[tilespmem:s0], [sflag:$0x4] =	stream.indirect.gather [hbm4b:s6+s14], $0x1, s20, s14, $0xb8;
	[tilespmem:$0x8A10] =	vst v63  }
0x29: {  	s0 =	simm.s32 $0x2400  }
0x2a: {  	[tilespmem:s0], [sflag:$0x1] =	stream.indirect.gather [hbm4b:s3+s14], $0x20, s24, s14, $0xb8;
	[tilespmem:$0x8A10] =	vst v63  }
0x2b: {  	s0 =	simm.s32 $0x6400  }
0x2c: {  	[tilespmem:s0], [sflag:$0x2] =	stream.indirect.gather [hbm4b:s4+s14], $0x20, s26, s14, $0xb8;
	[tilespmem:$0x8A10] =	vst v63  }
0x2d: {  	s0 =	simm.s32 $0x8500  }
0x2e: {  	[tilespmem:s0], [sflag:$0x3] =	stream.indirect.gather [hbm4b:s5+s14], $0x1, s24, s14, $0xb8;
	[tilespmem:$0x8A10] =	vst v63  }
0x2f: {  	s0 =	simm.s32 $0x8700  }
0x30: {  	[tilespmem:s0], [sflag:$0x4] =	stream.indirect.gather [hbm4b:s6+s14], $0x1, s26, s14, $0xb8;
	[tilespmem:$0x8A10] =	vst v63  }
0x31: {  	s0 =	simm.s32 $0x3400  }
0x32: {  	[tilespmem:s0], [sflag:$0x1] =	stream.indirect.gather [hbm4b:s3+s14], $0x20, s31, s14, $0xb8;
	[tilespmem:$0x8A10] =	vst v63  }
0x33: {  	_ = 	snop  }
0x34: {  	[tilespmem:s15], [sflag:$0x2] =	stream.indirect.gather [hbm4b:s4+s14], $0x20, s2, s14, $0xb8;
	[tilespmem:$0x8A10] =	vst v63  }
0x35: {  	_ = 	snop  }
0x36: {  	[tilespmem:s16], [sflag:$0x3] =	stream.indirect.gather [hbm4b:s5+s14], $0x1, s31, s14, $0xb8;
	[tilespmem:$0x8A10] =	vst v63  }
0x37: {  	_ = 	snop  }
0x38: {  	[tilespmem:s17], [sflag:$0x4] =	stream.indirect.gather [hbm4b:s6+s14], $0x1, s2, s14, $0xb8;
	[tilespmem:$0x8A10] =	vst v63  }
0x39: {  	_ =	swait.ge [sflag:s18], $0x1000  }
0x3a: {  	[sflag:s18] =	ssyncset.done $0x0  }
0x3b: {  	[sflag:s18] =	ssyncadd.s32 $0xFFFFF000  }
0x3c: {  	_ =	swait.ge [sflag:s19], $0x1000  }
0x3d: {  	[sflag:s19] =	ssyncset.done $0x0  }
0x3e: {  	[sflag:s19] =	ssyncadd.s32 $0xFFFFF000  }
0x3f: {  	_ =	swait.ge [sflag:s21], $0x80  }
0x40: {  	[sflag:s21] =	ssyncset.done $0x0  }
0x41: {  	[sflag:s21] =	ssyncadd.s32 $0xFFFFFF80  }
0x42: {  	_ =	swait.ge [sflag:s22], $0x80  }
0x43: {  	[sflag:s22] =	ssyncset.done $0x0  }
0x44: {  	[sflag:s22] =	ssyncadd.s32 $0xFFFFFF80  }
0x45: {  	_ =	swait.ge [sflag:s18], $0x1000  }
0x46: {  	[sflag:s18] =	ssyncset.done $0x0  }
0x47: {  	[sflag:s18] =	ssyncadd.s32 $0xFFFFF000  }
0x48: {  	_ =	swait.ge [sflag:s19], $0x1000  }
0x49: {  	[sflag:s19] =	ssyncset.done $0x0  }
0x4a: {  	[sflag:s19] =	ssyncadd.s32 $0xFFFFF000  }
0x4b: {  	_ =	swait.ge [sflag:s21], $0x80  }
0x4c: {  	[sflag:s21] =	ssyncset.done $0x0  }
0x4d: {  	[sflag:s21] =	ssyncadd.s32 $0xFFFFFF80  }
0x4e: {  	_ =	swait.ge [sflag:s22], $0x80  }
0x4f: {  	[sflag:s22] =	ssyncset.done $0x0  }
0x50: {  	[sflag:s22] =	ssyncadd.s32 $0xFFFFFF80  }
0x51: {  	_ =	swait.ge [sflag:s18], $0x1000  }
0x52: {  	[sflag:s18] =	ssyncset.done $0x0  }
0x53: {  	[sflag:s18] =	ssyncadd.s32 $0xFFFFF000  }
0x54: {  	_ =	swait.ge [sflag:s19], $0x1000  }
0x55: {  	[sflag:s19] =	ssyncset.done $0x0  }
0x56: {  	[sflag:s19] =	ssyncadd.s32 $0xFFFFF000  }
0x57: {  	_ =	swait.ge [sflag:s21], $0x80  }
0x58: {  	[sflag:s21] =	ssyncset.done $0x0  }
0x59: {  	[sflag:s21] =	ssyncadd.s32 $0xFFFFFF80  }
0x5a: {  	_ =	swait.ge [sflag:s22], $0x80  }
0x5b: {  	[sflag:s22] =	ssyncset.done $0x0  }
0x5c: {  	[sflag:s22] =	ssyncadd.s32 $0xFFFFFF80  }
0x5d: {  	_ =	swait.ge [sflag:s18], $0x1000  }
0x5e: {  	[sflag:s18] =	ssyncset.done $0x0  }
0x5f: {  	[sflag:s18] =	ssyncadd.s32 $0xFFFFF000  }
0x60: {  	_ =	swait.ge [sflag:s19], $0x1000  }
0x61: {  	[sflag:s19] =	ssyncset.done $0x0  }
0x62: {  	[sflag:s19] =	ssyncadd.s32 $0xFFFFF000  }
0x63: {  	_ =	swait.ge [sflag:s21], $0x80  }
0x64: {  	[sflag:s21] =	ssyncset.done $0x0  }
0x65: {  	[sflag:s21] =	ssyncadd.s32 $0xFFFFFF80  }
0x66: {  	_ =	swait.ge [sflag:s22], $0x80  }
0x67: {  	[sflag:s22] =	ssyncset.done $0x0  }
0x68: {  	s0 =	simm.s32 $0x440;
	[sflag:s22] =	ssyncadd.s32 $0xFFFFFF80  }
0x69: {  	s29 =	simm.s32 $0x4440;
	v0 =	vld [tilespmem:s0+$0xFFFFFFC0]  }
0x6a: {  	v1 =	vld [tilespmem:s29+$0xFFFFFFC0]  }
0x6b: {  	v2 =	vld [tilespmem:s0+$0xFFFFFFD0]  }
0x6c: {  	v3 =	vld [tilespmem:s29+$0xFFFFFFD0]  }
0x6d: {  	v4 =	vld [tilespmem:s0+$0xFFFFFFE0]  }
0x6e: {  	v5 =	vld [tilespmem:s29+$0xFFFFFFE0]  }
0x6f: {  	v6 =	vld [tilespmem:s0+$0xFFFFFFF0];
	v0 =	vmul.f32 v1, v0  }
0x70: {  	v7 =	vld [tilespmem:s29+$0xFFFFFFF0];
	v1 =	vimm.f32 $0.0e+00  }
0x71: {  	v8 =	vld [tilespmem:s0+$0x0];
	v2 =	vmul.f32 v3, v2;
	v0 =	vadd.f32 v0, v1  }
0x72: {  	v9 =	vld [tilespmem:s29+$0x0]  }
0x73: {  	v3 =	vmul.f32 v5, v4;
	v4 =	vld [tilespmem:s29+$0x10];
	v2 =	vadd.f32 v2, v0  }
0x74: {  	v1 =	vld [tilespmem:s0+$0x10]  }
0x75: {  	v6 =	vmul.f32 v7, v6;
	v0 =	vld [tilespmem:s0+$0x20];
	v5 =	vadd.f32 v3, v2  }
0x76: {  	v3 =	vld [tilespmem:s29+$0x20]  }
0x77: {  	v7 =	vmul.f32 v9, v8;
	v2 =	vld [tilespmem:s0+$0x30];
	v6 =	vadd.f32 v6, v5  }
0x78: {  	s30 =	simm.s32 $0x0;
	s0 =	simm.s32 $0x4C0;
	v5 =	vld [tilespmem:s29+$0x30]  }
.LBB2_2:
0x79: {  	v8 =	vld [tilespmem:s0+$0xFFFFFFC0];
	v6 =	vadd.f32 v7, v6;
	v1 =	vmul.f32 v4, v1;
	s29 =	sadd.s32 $0x80, s29  }
0x7a: {  	s30 =	sadd.s32 $0x4, s30;
	v4 =	vld [tilespmem:s29+$0xFFFFFFC0]  }
0x7b: {  	p0 =	slt.u32 s30, $0x1FC;
	v7 =	vld [tilespmem:s0+$0xFFFFFFD0];
	v1 =	vadd.f32 v1, v6;
	v0 =	vmul.f32 v3, v0  }
0x7c: {  	v3 =	vld [tilespmem:s29+$0xFFFFFFD0]  }
0x7d: {  	v6 =	vld [tilespmem:s0+$0xFFFFFFE0];
	v0 =	vadd.f32 v0, v1;
	v1 =	vmul.f32 v5, v2  }
0x7e: {  	v2 =	vld [tilespmem:s29+$0xFFFFFFE0]  }
0x7f: {  	v4 =	vmul.f32 v4, v8;
	v5 =	vld [tilespmem:s0+$0xFFFFFFF0];
	v0 =	vadd.f32 v1, v0  }
0x80: {  	v8 =	vld [tilespmem:s29+$0xFFFFFFF0]  }
0x81: {  	v0 =	vadd.f32 v4, v0;
	v1 =	vmul.f32 v3, v7;
	v7 =	vld [tilespmem:s0+$0x0]  }
0x82: {  	v9 =	vld [tilespmem:s29+$0x0]  }
0x83: {  	v0 =	vadd.f32 v1, v0;
	v2 =	vmul.f32 v2, v6;
	v1 =	vld [tilespmem:s0+$0x10]  }
.Ltmp0:
0x84: {  	v4 =	vld [tilespmem:s29+$0x10];
	(pc) =	sbr.rel @p0 .LBB2_2-.Ltmp0, $4  }
0x85: {  	v2 =	vadd.f32 v2, v0;
	v5 =	vmul.f32 v8, v5;
	v0 =	vld [tilespmem:s0+$0x20]  }
0x86: {  	v3 =	vld [tilespmem:s29+$0x20]  }
0x87: {  	v6 =	vadd.f32 v5, v2;
	v7 =	vmul.f32 v9, v7;
	v2 =	vld [tilespmem:s0+$0x30]  }
0x88: {  	s0 =	sadd.s32 $0x80, s0;
	v5 =	vld [tilespmem:s29+$0x30]  }
0x89: {  	v6 =	vadd.f32 v7, v6;
	v1 =	vmul.f32 v4, v1;
	_ =	sdelay $0x1  }
0x8a: {  	v1 =	vadd.f32 v1, v6;
	v0 =	vmul.f32 v3, v0;
	_ =	sdelay $0x1  }
0x8b: {  	v0 =	vadd.f32 v0, v1;
	v61 =	vmul.f32 v5, v2;
	_ =	sdelay $0x1  }
0x8c: {  	v0 =	vadd.f32 v61, v0;
	_ =	sdelay $0x1  }
0x8d: {  	[tilespmem:$0x8800] =	vst v0  }
0x8e: {  	[hbm4b:s9+s1] =	stream.linear.scatter [tilespmem:s23], [sflag:$0x5], $0x10, $0x38;
	[tilespmem:$0x8A10] =	vst v63  }
0x8f: {  	_ =	swait.ge [sflag:s12], $0x10  }
0x90: {  	[sflag:s12] =	ssyncset.done $0x0  }
0x91: {  	[sflag:s12] =	ssyncadd.s32 $0xFFFFFFF0  }
0x92: {  	v62 =	vld [tilespmem:$0x8400]  }
0x93: {  	v63 =	vld [tilespmem:$0x8600]  }
0x94: {  	v40 =	vld [tilespmem:$0x8410]  }
0x95: {  	v41 =	vld [tilespmem:$0x8610]  }
0x96: {  	v42 =	vld [tilespmem:$0x8420]  }
0x97: {  	v43 =	vld [tilespmem:$0x8620]  }
0x98: {  	v44 =	vld [tilespmem:$0x8430]  }
0x99: {  	v45 =	vld [tilespmem:$0x8630]  }
0x9a: {  	v8 =	vld [tilespmem:$0x8440]  }
0x9b: {  	v9 =	vld [tilespmem:$0x8640]  }
0x9c: {  	v10 =	vld [tilespmem:$0x8450]  }
0x9d: {  	v11 =	vld [tilespmem:$0x8650]  }
0x9e: {  	v12 =	vld [tilespmem:$0x8460]  }
0x9f: {  	v13 =	vld [tilespmem:$0x8660]  }
0xa0: {  	v14 =	vld [tilespmem:$0x8470]  }
0xa1: {  	v15 =	vld [tilespmem:$0x8670]  }
0xa2: {  	v16 =	vld [tilespmem:$0x8480]  }
0xa3: {  	v17 =	vld [tilespmem:$0x8680]  }
0xa4: {  	v18 =	vld [tilespmem:$0x8490]  }
0xa5: {  	v19 =	vld [tilespmem:$0x8690]  }
0xa6: {  	v20 =	vld [tilespmem:$0x84A0]  }
0xa7: {  	v21 =	vld [tilespmem:$0x86A0]  }
0xa8: {  	v22 =	vld [tilespmem:$0x84B0]  }
0xa9: {  	v23 =	vld [tilespmem:$0x86B0]  }
0xaa: {  	v24 =	vld [tilespmem:$0x84C0]  }
0xab: {  	v25 =	vld [tilespmem:$0x86C0]  }
0xac: {  	v26 =	vld [tilespmem:$0x84D0]  }
0xad: {  	v27 =	vld [tilespmem:$0x86D0]  }
0xae: {  	v28 =	vld [tilespmem:$0x84E0]  }
0xaf: {  	v29 =	vld [tilespmem:$0x86E0]  }
0xb0: {  	v30 =	vld [tilespmem:$0x84F0]  }
0xb1: {  	v31 =	vld [tilespmem:$0x86F0]  }
0xb2: {  	v32 =	vld [tilespmem:$0x8500]  }
0xb3: {  	v33 =	vld [tilespmem:$0x8700]  }
0xb4: {  	v34 =	vld [tilespmem:$0x8510]  }
0xb5: {  	v35 =	vld [tilespmem:$0x8710]  }
0xb6: {  	v36 =	vld [tilespmem:$0x8520]  }
0xb7: {  	v46 =	vld [tilespmem:$0x8720];
	v0 =	vadd.f32 v63, v62  }
0xb8: {  	v47 =	vld [tilespmem:$0x8530];
	v2 =	vadd.f32 v41, v40  }
0xb9: {  	v49 =	vld [tilespmem:$0x8730];
	v48 =	vadd.f32 v43, v42;
	[tilespmem:$0x8810] =	vst v0  }
0xba: {  	v51 =	vld [tilespmem:$0x8540];
	v50 =	vadd.f32 v45, v44;
	[tilespmem:$0x8820] =	vst v2  }
0xbb: {  	v53 =	vld [tilespmem:$0x8740];
	v52 =	vadd.f32 v9, v8;
	[tilespmem:$0x8830] =	vst v48  }
0xbc: {  	v55 =	vld [tilespmem:$0x8550];
	v54 =	vadd.f32 v11, v10;
	[tilespmem:$0x8840] =	vst v50  }
0xbd: {  	v57 =	vld [tilespmem:$0x8750];
	v56 =	vadd.f32 v13, v12;
	[tilespmem:$0x8850] =	vst v52  }
0xbe: {  	v59 =	vld [tilespmem:$0x8560];
	v58 =	vadd.f32 v15, v14;
	[tilespmem:$0x8860] =	vst v54  }
0xbf: {  	v61 =	vld [tilespmem:$0x8760];
	v60 =	vadd.f32 v17, v16;
	[tilespmem:$0x8870] =	vst v56  }
0xc0: {  	v37 =	vld [tilespmem:$0x85A0];
	v62 =	vadd.f32 v19, v18;
	[tilespmem:$0x8880] =	vst v58  }
0xc1: {  	v39 =	vld [tilespmem:$0x87A0];
	v20 =	vadd.f32 v21, v20;
	[tilespmem:$0x8890] =	vst v60  }
0xc2: {  	v63 =	vld [tilespmem:$0x8570];
	v22 =	vadd.f32 v23, v22;
	[tilespmem:$0x88A0] =	vst v62  }
0xc3: {  	v21 =	vld [tilespmem:$0x8770];
	v24 =	vadd.f32 v25, v24;
	[tilespmem:$0x88B0] =	vst v20  }
0xc4: {  	v23 =	vld [tilespmem:$0x8580];
	v26 =	vadd.f32 v27, v26;
	[tilespmem:$0x88C0] =	vst v22  }
0xc5: {  	v25 =	vld [tilespmem:$0x8780];
	v28 =	vadd.f32 v29, v28;
	[tilespmem:$0x88D0] =	vst v24  }
0xc6: {  	v27 =	vld [tilespmem:$0x8590];
	v31 =	vadd.f32 v31, v30;
	[tilespmem:$0x88E0] =	vst v26  }
0xc7: {  	v29 =	vld [tilespmem:$0x8790];
	v38 =	vadd.f32 v33, v32;
	[tilespmem:$0x88F0] =	vst v28  }
0xc8: {  	v40 =	vadd.f32 v35, v34;
	v41 =	vld [tilespmem:$0x85B0];
	[tilespmem:$0x8900] =	vst v31  }
0xc9: {  	v42 =	vadd.f32 v46, v36;
	v43 =	vld [tilespmem:$0x87B0];
	[tilespmem:$0x8910] =	vst v38  }
0xca: {  	v44 =	vadd.f32 v49, v47;
	v45 =	vld [tilespmem:$0x85C0];
	[tilespmem:$0x8920] =	vst v40  }
0xcb: {  	v46 =	vadd.f32 v53, v51;
	v47 =	vld [tilespmem:$0x87C0];
	[tilespmem:$0x8930] =	vst v42  }
0xcc: {  	v49 =	vld [tilespmem:$0x85D0];
	[tilespmem:$0x8940] =	vst v44;
	v48 =	vadd.f32 v57, v55  }
0xcd: {  	v51 =	vld [tilespmem:$0x87D0];
	[tilespmem:$0x8950] =	vst v46;
	v50 =	vadd.f32 v61, v59  }
0xce: {  	v53 =	vld [tilespmem:$0x85E0];
	v58 =	vadd.f32 v39, v37;
	[tilespmem:$0x8960] =	vst v48  }
0xcf: {  	v55 =	vld [tilespmem:$0x87E0];
	[tilespmem:$0x8970] =	vst v50;
	v52 =	vadd.f32 v21, v63  }
0xd0: {  	v57 =	vld [tilespmem:$0x85F0];
	[tilespmem:$0x89B0] =	vst v58;
	v54 =	vadd.f32 v25, v23  }
0xd1: {  	v59 =	vld [tilespmem:$0x87F0];
	v56 =	vadd.f32 v29, v27;
	[tilespmem:$0x8980] =	vst v52  }
0xd2: {  	v1 =	vadd.f32 v43, v41;
	[tilespmem:$0x8990] =	vst v54  }
0xd3: {  	v60 =	vadd.f32 v47, v45;
	[tilespmem:$0x89A0] =	vst v56  }
0xd4: {  	v61 =	vadd.f32 v51, v49;
	[tilespmem:$0x89C0] =	vst v1  }
0xd5: {  	[tilespmem:$0x89D0] =	vst v60;
	v62 =	vadd.f32 v55, v53  }
0xd6: {  	s28 =	sadd.s32 $0x1, s28;
	[tilespmem:$0x89E0] =	vst v61;
	v63 =	vadd.f32 v59, v57  }
0xd7: {  	p0 =	sne.s32 s28, s11;
	[tilespmem:$0x89F0] =	vst v62  }
.Ltmp1:
0xd8: {  	[tilespmem:$0x8A00] =	vst v63;
	(pc) =	sbr.rel @p0 .LBB2_1-.Ltmp1, $4  }
0xd9: {  	[hbm4b:s10+s1] =	stream.linear.scatter [tilespmem:s25], [sflag:$0x5], $0x200, $0x38;
	[tilespmem:$0x8A10] =	vst v63  }
0xda: {  	_ =	swait.ge [sflag:s12], $0x200  }
0xdb: {  	[sflag:s12] =	ssyncset.done $0x0  }
0xdc: {  	[sflag:s12] =	ssyncadd.s32 $0xFFFFFE00  }
0xdd: {  	_ =	sfence.sel $0x180000  }
0xde: {  	[bflag:$0x0] =	sbarrier.arrive $0xFFFF  }
0xdf: {  	_ =	strace $0x90000047  }
0xe0: {  	s0 =	stileid.u32;
	[bflag:$0x2] =	sbarrier.arrive $0xFFFF  }
0xe1: {  	p0 =	sne.s32 s0, $0x0;
	s0 =	rddreg [dreg:$0x4]  }
0xe2: {  	s0 =	sadd.s32 @!p0 $0x100000, s0  }
0xe3: {  	[sflag:s0] =	ssyncadd.tile.s32 @!p0 $0x1;
	_ =	shalt  }
.Lfunc_end2:
_tile_overlayer_lowered:
.L_overlay_start_2:
0xe4: {  	(tag) =	ssettag $0x2  }
0xe5: {  	s0 =	rddreg [dreg:$0x0];
	s2 =	stileid.u32  }
0xe6: {  	s1 =	rddreg [dreg:$0x1];
	p0 =	sne.s32 s2, $0x0  }
0xe7: {  	s3 =	rddreg [dreg:$0x2];
	[bflag:$0x3] =	sbarrier.arrive $0xFFFF;
	s2 =	simm.s32 @!p0 $0x1C05  }
0xe8: {  	[timem:s3], [sflag:s2] =	dma.local @!p0 [hbm:s0], s1  }
0xe9: {  	s0 =	simm.s32 @!p0 $0x5  }
0xea: {  	_ =	swait.ge @!p0 [sflag:s0], s1  }
0xeb: {  	s1 =	ssub.s32 @!p0 $0x0, s1;
	[sflag:s0] =	ssyncset.done @!p0 $0x0  }
0xec: {  	[sflag:s0] =	ssyncadd.s32 @!p0 s1  }
0xed: {  	[bflag:$0x3] =	sbarrier.arrive $0xFFFF  }
0xee: {  	_ =	shalt  }

</sc_bundles>
